<compile_context>
chip_gen: v7x
topology: tpu7x:2x2x1
jax: 0.10.2.dev20260603
libtpu: 0.0.44.dev20260713+nightly
codegen_flags: <defaults>
</compile_context>

<pallas_src>
import functools

import jax
import jax.numpy as jnp
from jax import lax
from jax.experimental import pallas as pl
from jax.experimental.pallas import tpu as pltpu
from jax.experimental.pallas import tpu_sc as plsc

N = 10000
NP = 10240
D = 256
HP = 128
B = 64
E = 160000
EB = 128
NTILE = 32
TBLK = 40
T0 = 72
T1 = 2 * TBLK - T0
STAGE = max(T0, T1)
DHALVES = ((0, 40), (40, 32)) if T0 == 72 else ((0, T0),)
DSTG = max(h[1] for h in DHALVES)
EP = NTILE * TBLK * EB
EROWS = max(EP // EB, 16 * T0 + 15 * T1 + STAGE)
ROWS_T = NP // 16
NBLK = 10

@functools.lru_cache(maxsize=1)
def _sc_kernels():
    mesh = plsc.VectorSubcoreMesh(core_axis_name="c", subcore_axis_name="s",
                                  num_cores=2, num_subcores=16)

    @functools.partial(
        pl.kernel,
        out_type=jax.ShapeDtypeStruct((2, NP), jnp.float32),
        mesh=mesh,
        scratch_types=[
            pltpu.VMEM_SHARED((NP,), jnp.float32),
            pltpu.VMEM((TBLK, EB), jnp.int32),
            pltpu.VMEM((EB,), jnp.float32),
            pltpu.VMEM((ROWS_T,), jnp.float32),
        ],
    )
    def _deg_kernel(dst_hbm, deg_out, deg_sh, didx, ones_v, zbuf):
        c = lax.axis_index("c")
        s = lax.axis_index("s")
        wid = c * 16 + s
        pltpu.sync_copy(dst_hbm.at[pl.ds(wid * TBLK, TBLK)], didx)
        for k in range(EB // 16):
            ones_v[pl.ds(k * 16, 16)] = jnp.ones((16,), jnp.float32)
        for k in range(ROWS_T // 16):
            zbuf[pl.ds(k * 16, 16)] = jnp.zeros((16,), jnp.float32)
        rows = pl.ds(s * ROWS_T, ROWS_T)
        pltpu.sync_copy(zbuf, deg_sh.at[rows])
        plsc.subcore_barrier()

        def body(j, carry):
            pltpu.sync_copy(ones_v, deg_sh.at[didx.at[j]], add=True)
            return carry

        lax.fori_loop(0, TBLK, body, 0)
        plsc.subcore_barrier()
        pltpu.sync_copy(deg_sh.at[rows], deg_out.at[c, rows])

    @functools.partial(
        pl.kernel,
        out_type=jax.ShapeDtypeStruct((2, NP, HP), jnp.float32),
        mesh=mesh,
        scratch_types=[
            pltpu.VMEM_SHARED((NP, HP), jnp.float32),
            pltpu.VMEM((STAGE, EB), jnp.int32),
            pltpu.VMEM((DSTG, EB), jnp.int32),
            pltpu.VMEM((EB, HP), jnp.float32),
            pltpu.VMEM((EB, HP), jnp.float32),
            pltpu.SemaphoreType.DMA,
            pltpu.SemaphoreType.DMA,
        ],
    )
    def _msg_kernel(src_hbm, dst_hbm, hws_hbm, zeros_hbm, out_hbm,
                    acc_sh, sidx, didx, buf0, buf1, sem0, sem1):
        c = lax.axis_index("c")
        s = lax.axis_index("s")
        rows = pl.ds(s * ROWS_T, ROWS_T)
        base = jnp.where(c == 0, s * T0, 16 * T0 + s * T1)
        pltpu.sync_copy(src_hbm.at[pl.ds(base, STAGE)], sidx)

        @pl.when(c == 0)
        def _():
            pltpu.sync_copy(hws_hbm.at[rows], acc_sh.at[rows])

        @pl.when(c == 1)
        def _():
            pltpu.sync_copy(zeros_hbm.at[rows], acc_sh.at[rows])

        plsc.subcore_barrier()

        def pipe(halves):
            for h0, hn in halves:
                pltpu.sync_copy(dst_hbm.at[pl.ds(base + h0, hn)],
                                didx.at[pl.ds(0, hn)])
                pltpu.async_copy(hws_hbm.at[sidx.at[h0]], buf0, sem0)

                def body(i, carry):
                    j = h0 + i * 2
                    jl = i * 2
                    pltpu.make_async_copy(hws_hbm.at[sidx.at[j]], buf0,
                                          sem0).wait()
                    pltpu.async_copy(hws_hbm.at[sidx.at[j + 1]], buf1, sem1)
                    pltpu.sync_copy(buf0, acc_sh.at[didx.at[jl]], add=True)
                    pltpu.make_async_copy(hws_hbm.at[sidx.at[j + 1]], buf1,
                                          sem1).wait()

                    @pl.when(i < hn // 2 - 1)
                    def _():
                        pltpu.async_copy(hws_hbm.at[sidx.at[j + 2]], buf0,
                                         sem0)

                    pltpu.sync_copy(buf1, acc_sh.at[didx.at[jl + 1]],
                                    add=True)
                    return carry

                lax.fori_loop(0, hn // 2, body, 0)

        @pl.when(c == 0)
        def _():
            pipe(DHALVES)

        @pl.when(c == 1)
        def _():
            pipe(((0, T1),))

        plsc.subcore_barrier()
        pltpu.sync_copy(acc_sh.at[rows], out_hbm.at[c, rows])

    return _deg_kernel, _msg_kernel


def _prep_body(x_ref, g_ref, b_ref, m_ref, v_ref, w_ref, degp_ref, out_ref):
    x = x_ref[...]
    h = (x - m_ref[...]) * lax.rsqrt(v_ref[...] + 1e-5) * g_ref[...] + b_ref[...]
    hw = jnp.dot(h, w_ref[...], preferred_element_type=jnp.float32)
    deg = degp_ref[0, :] + degp_ref[1, :] + 1.0
    out_ref[...] = hw * lax.rsqrt(deg)[:, None]


def _tc_prep(x_pad, bn1g, bn1b, bn1m, bn1v, w_pad, deg_p):
    blk = NP // NBLK
    return pl.pallas_call(
        _prep_body,
        grid=(NBLK,),
        in_specs=[
            pl.BlockSpec((blk, D), lambda i: (i, 0)),
            pl.BlockSpec((1, D), lambda i: (0, 0)),
            pl.BlockSpec((1, D), lambda i: (0, 0)),
            pl.BlockSpec((1, D), lambda i: (0, 0)),
            pl.BlockSpec((1, D), lambda i: (0, 0)),
            pl.BlockSpec((D, HP), lambda i: (0, 0)),
            pl.BlockSpec((2, blk), lambda i: (0, i)),
        ],
        out_specs=pl.BlockSpec((blk, HP), lambda i: (i, 0)),
        out_shape=jax.ShapeDtypeStruct((NP, HP), jnp.float32),
    )(x_pad, bn1g, bn1b, bn1m, bn1v, w_pad, deg_p)


def _elu(x):
    return jnp.where(x > 0, x, jnp.exp(jnp.minimum(x, 0.0)) - 1.0)


def _head_body(p_ref, degp_ref, batch_ref, bg_ref,
               g2_ref, b2_ref, m2_ref, v2_ref, w1_ref, bb1_ref,
               g3_ref, b3_ref, m3_ref, v3_ref, w2_ref, bb2_ref,
               out_ref, pool_ref, cnt_ref):
    i = pl.program_id(0)

    @pl.when(i == 0)
    def _():
        pool_ref[...] = jnp.zeros_like(pool_ref)
        cnt_ref[...] = jnp.zeros_like(cnt_ref)

    deg = degp_ref[0, :] + degp_ref[1, :] + 1.0
    dinv = lax.rsqrt(deg)
    g = dinv[:, None] * (p_ref[0] + p_ref[1]) + bg_ref[...]
    h = _elu(g)
    bvec = batch_ref[0, 0, :]
    oh = (lax.broadcasted_iota(jnp.int32, (B, bvec.shape[0]), 0)
          == bvec[None, :]).astype(jnp.float32)
    pool_ref[...] += jnp.dot(oh, h, preferred_element_type=jnp.float32)
    cnt_ref[...] += jnp.sum(oh, axis=1)[:, None]

    @pl.when(i == NBLK - 1)
    def _():
        hp = pool_ref[...] / jnp.maximum(cnt_ref[...], 1.0)
        hb = ((hp - m2_ref[...]) * lax.rsqrt(v2_ref[...] + 1e-5)
              * g2_ref[...] + b2_ref[...])
        h1 = jnp.dot(hb, w1_ref[...], preferred_element_type=jnp.float32)
        h1 = _elu(h1 + bb1_ref[...])
        h1 = ((h1 - m3_ref[...]) * lax.rsqrt(v3_ref[...] + 1e-5)
              * g3_ref[...] + b3_ref[...])
        out_ref[...] = (jnp.dot(h1, w2_ref[...],
                                preferred_element_type=jnp.float32)
                        + bb2_ref[...])


def _tc_head(p, deg_p, batch3, bg, g2, b2, m2, v2, w1, bb1,
             g3, b3, m3, v3, w2, bb2):
    blk = NP // NBLK
    small = pl.BlockSpec((1, HP), lambda i: (0, 0))
    return pl.pallas_call(
        _head_body,
        grid=(NBLK,),
        in_specs=[
            pl.BlockSpec((2, blk, HP), lambda i: (0, i, 0)),
            pl.BlockSpec((2, blk), lambda i: (0, i)),
            pl.BlockSpec((1, 1, blk), lambda i: (i, 0, 0)),
            small, small, small, small, small,
            pl.BlockSpec((HP, HP), lambda i: (0, 0)),
            small, small, small, small, small,
            pl.BlockSpec((HP, HP), lambda i: (0, 0)),
            small,
        ],
        out_specs=pl.BlockSpec((B, HP), lambda i: (0, 0)),
        out_shape=jax.ShapeDtypeStruct((B, HP), jnp.float32),
        scratch_shapes=[
            pltpu.VMEM((B, HP), jnp.float32),
            pltpu.VMEM((B, HP), jnp.float32),
        ],
    )(p, deg_p, batch3, bg, g2, b2, m2, v2, w1, bb1,
      g3, b3, m3, v3, w2, bb2)


def _row(v, width, fill=0.0):
    out = jnp.full((1, width), fill, v.dtype)
    return lax.dynamic_update_slice(out, v[None, :], (0, 0))


def kernel(x, edge_index, batch,
           bn1_gamma, bn1_beta, bn1_mean, bn1_var,
           W_gcn, b_gcn,
           bn2_gamma, bn2_beta, bn2_mean, bn2_var,
           lin1_W, lin1_b,
           bn3_gamma, bn3_beta, bn3_mean, bn3_var,
           lin2_W, lin2_b):
    f32 = jnp.float32
    x_pad = jnp.pad(x, ((0, NP - N), (0, 0)))
    npad = EROWS * EB - E
    src = jnp.pad(edge_index[0], (0, npad)).reshape(EROWS, EB)
    pad_dst = N + jnp.arange(npad, dtype=edge_index.dtype) % (NP - N)
    dst = jnp.concatenate([edge_index[1], pad_dst]).reshape(EROWS, EB)
    batch3 = jnp.pad(batch, (0, NP - N),
                     constant_values=B).reshape(NBLK, 1, NP // NBLK)
    w_pad = jnp.pad(W_gcn, ((0, 0), (0, HP - W_gcn.shape[1])))
    bg = _row(jnp.pad(b_gcn, (0, HP - b_gcn.shape[0])), HP)
    h1 = bn2_gamma.shape[0]
    h2 = bn3_gamma.shape[0]
    g2 = _row(jnp.pad(bn2_gamma, (0, HP - h1)), HP)
    b2 = _row(jnp.pad(bn2_beta, (0, HP - h1)), HP)
    m2 = _row(jnp.pad(bn2_mean, (0, HP - h1)), HP)
    v2 = _row(jnp.pad(bn2_var, (0, HP - h1), constant_values=1.0), HP)
    w1 = jnp.pad(lin1_W, ((0, HP - h1), (0, HP - lin1_W.shape[1])))
    bb1 = _row(jnp.pad(lin1_b, (0, HP - lin1_b.shape[0])), HP)
    g3 = _row(jnp.pad(bn3_gamma, (0, HP - h2)), HP)
    b3 = _row(jnp.pad(bn3_beta, (0, HP - h2)), HP)
    m3 = _row(jnp.pad(bn3_mean, (0, HP - h2)), HP)
    v3 = _row(jnp.pad(bn3_var, (0, HP - h2), constant_values=1.0), HP)
    w2 = jnp.pad(lin2_W, ((0, HP - h2), (0, HP - lin2_W.shape[1])))
    bb2 = _row(jnp.pad(lin2_b, (0, HP - lin2_b.shape[0])), HP)
    bn1g, bn1b = bn1_gamma[None, :], bn1_beta[None, :]
    bn1m, bn1v = bn1_mean[None, :], bn1_var[None, :]
    zeros_nh = jnp.zeros((NP, HP), f32)

    deg_k, msg_k = _sc_kernels()
    deg_p = deg_k(dst)
    hw_s = _tc_prep(x_pad, bn1g, bn1b, bn1m, bn1v, w_pad, deg_p)
    p = msg_k(src, dst, hw_s, zeros_nh)
    out = _tc_head(p, deg_p, batch3, bg, g2, b2, m2, v2, w1, bb1,
                   g3, b3, m3, v3, w2, bb2)
    return out[:, :lin2_W.shape[1]]

# --- scband reference (transcript-rebuilt; emitter-appended) ---
"""Pipeline reference for scband-gcn-71090298683415 (READ-ONLY COPY).

The authoritative reference and input builder live on the scoring server;
editing this copy changes nothing except your own understanding.
"""

import jax, jax.numpy as jnp
import numpy as np

N, E, D, B = 10000, 160000, 256, 64
H1, H2, OUT = 100, 20, 2

def setup_inputs(seed: int = 0):
    key = jax.random.key(seed)
    ks = jax.random.split(key, 16)
    x = jax.random.normal(ks[0], (N, D), dtype=jnp.float32)
    edge_index = jax.random.randint(ks[1], (2, E), 0, N, dtype=jnp.int32)
    batch = jnp.sort(jax.random.randint(ks[2], (N,), 0, B, dtype=jnp.int32))
    # learned params (torch.manual_seed analog: deterministic jax keys)
    bn1_gamma = jnp.ones((D,), jnp.float32); bn1_beta = jnp.zeros((D,), jnp.float32)
    bn1_mean = jnp.zeros((D,), jnp.float32); bn1_var = jnp.ones((D,), jnp.float32)
    W_gcn = jax.random.normal(ks[3], (D, H1), jnp.float32) * (1.0 / np.sqrt(D))
    b_gcn = jnp.zeros((H1,), jnp.float32)
    bn2_gamma = jnp.ones((H1,), jnp.float32); bn2_beta = jnp.zeros((H1,), jnp.float32)
    bn2_mean = jnp.zeros((H1,), jnp.float32); bn2_var = jnp.ones((H1,), jnp.float32)
    lin1_W = jax.random.normal(ks[4], (H1, H2), jnp.float32) * (1.0 / np.sqrt(H1))
    lin1_b = jnp.zeros((H2,), jnp.float32)
    bn3_gamma = jnp.ones((H2,), jnp.float32); bn3_beta = jnp.zeros((H2,), jnp.float32)
    bn3_mean = jnp.zeros((H2,), jnp.float32); bn3_var = jnp.ones((H2,), jnp.float32)
    lin2_W = jax.random.normal(ks[5], (H2, OUT), jnp.float32) * (1.0 / np.sqrt(H2))
    lin2_b = jnp.zeros((OUT,), jnp.float32)
    return {"x": x, "edge_index": edge_index, "batch": batch,
            "bn1_gamma": bn1_gamma, "bn1_beta": bn1_beta, "bn1_mean": bn1_mean, "bn1_var": bn1_var,
            "W_gcn": W_gcn, "b_gcn": b_gcn,
            "bn2_gamma": bn2_gamma, "bn2_beta": bn2_beta, "bn2_mean": bn2_mean, "bn2_var": bn2_var,
            "lin1_W": lin1_W, "lin1_b": lin1_b,
            "bn3_gamma": bn3_gamma, "bn3_beta": bn3_beta, "bn3_mean": bn3_mean, "bn3_var": bn3_var,
            "lin2_W": lin2_W, "lin2_b": lin2_b}

def _batchnorm(h, gamma, beta, mean, var, eps=1e-5):
    return (h - mean) * jax.lax.rsqrt(var + eps) * gamma + beta

def _gcn_conv(h, edge_index, W, b):
    n = h.shape[0]
    loop = jnp.arange(n, dtype=edge_index.dtype)
    src = jnp.concatenate([edge_index[0], loop])
    dst = jnp.concatenate([edge_index[1], loop])
    deg = jnp.zeros((n,), jnp.float32).at[dst].add(1.0)
    dinv = jax.lax.rsqrt(deg)
    norm = dinv[src] * dinv[dst]
    hw = h @ W
    msg = jnp.take(hw, src, axis=0) * norm[:, None]
    out = jnp.zeros((n, hw.shape[1]), jnp.float32).at[dst].add(msg)
    return out + b

def reference(x, edge_index, batch,
              bn1_gamma, bn1_beta, bn1_mean, bn1_var,
              W_gcn, b_gcn,
              bn2_gamma, bn2_beta, bn2_mean, bn2_var,
              lin1_W, lin1_b,
              bn3_gamma, bn3_beta, bn3_mean, bn3_var,
              lin2_W, lin2_b):
    h = _batchnorm(x, bn1_gamma, bn1_beta, bn1_mean, bn1_var)
    h = _gcn_conv(h, edge_index, W_gcn, b_gcn)
    h = jax.nn.elu(h)
    # global_mean_pool over graphs
    sums = jax.ops.segment_sum(h, batch, num_segments=B)
    cnts = jax.ops.segment_sum(jnp.ones((h.shape[0],), jnp.float32), batch, num_segments=B)
    h = sums / jnp.maximum(cnts, 1.0)[:, None]
    h = _batchnorm(h, bn2_gamma, bn2_beta, bn2_mean, bn2_var)
    # Dropout p=0.5 -> identity in eval
    h = h @ lin1_W + lin1_b
    h = jax.nn.elu(h)
    h = _batchnorm(h, bn3_gamma, bn3_beta, bn3_mean, bn3_var)
    # Dropout p=0.2 -> identity in eval
    out = h @ lin2_W + lin2_b
    return out

if __name__ == "__main__":
    import jax
    _d = setup_inputs()
    print(jax.jit(kernel)(*tuple(_d.values())))

</pallas_src>

<mosaic_0001>
#map = affine_map<(d0, d1) -> (0, 0)>
module attributes {stable_mosaic.version = 14 : i64} {
  func.func @_deg_kernel(%arg0: i32, %arg1: i32, %arg2: memref<1344x128xi32, #tpu.memory_space<hbm>>, %arg3: memref<2x10240xf32, #tpu.memory_space<hbm>>, %arg4: memref<10240xf32, #tpu.memory_space<vmem_shared>>, %arg5: memref<40x128xi32, #tpu.memory_space<vmem>>, %arg6: memref<128xf32, #tpu.memory_space<vmem>>, %arg7: memref<640xf32, #tpu.memory_space<vmem>>) attributes {dimension_semantics = [#tpu.dimension_semantics<core_parallel>, #tpu.dimension_semantics<subcore_parallel>], iteration_bounds = array<i64: 2, 16>, scalar_prefetch = 0 : i64, scratch_operands = 4 : i64, tpu.core_type = #tpu.core_type<sc_vector_subcore>, window_params = [{transform_indices = #map}, {transform_indices = #map}]} {
    %mul3A = arith.constant 16 : i32
    %mul3A_0 = arith.muli %arg0, %mul3A : i32
    %add3A = arith.addi %mul3A_0, %arg1 : i32
    %mul3A_1 = arith.constant 40 : i32
    %mul3A_2 = arith.muli %add3A, %mul3A_1 : i32
    "tpu.region"() ({
      %run_scoped3A = tpu.sem_alloc : memref<!tpu.dma_semaphore, #tpu.memory_space<semaphore_mem>>
      %dma_start3A = arith.constant 0 : i32
      %dma_start3A_297 = tpu.memref_slice %arg2[%mul3A_2, %dma_start3A] : memref<1344x128xi32, #tpu.memory_space<hbm>> -> memref<40x128xi32, #tpu.memory_space<hbm>>
      %dma_start3A_298 = arith.constant 0 : i32
      %dma_start3A_299 = tpu.memref_slice %arg2[%mul3A_2, %dma_start3A_298] : memref<1344x128xi32, #tpu.memory_space<hbm>> -> memref<40x128xi32, #tpu.memory_space<hbm>>
      tpu.enqueue_dma source(%dma_start3A_299 : memref<40x128xi32, #tpu.memory_space<hbm>>) target(%arg5 : memref<40x128xi32, #tpu.memory_space<vmem>>) target_semaphore(%run_scoped3A : memref<!tpu.dma_semaphore, #tpu.memory_space<semaphore_mem>>)
      %dma_wait3A = arith.constant 0 : i32
      %dma_wait3A_300 = tpu.memref_slice %arg2[%mul3A_2, %dma_wait3A] : memref<1344x128xi32, #tpu.memory_space<hbm>> -> memref<40x128xi32, #tpu.memory_space<hbm>>
      %dma_wait3A_301 = arith.constant 0 : i32
      %dma_wait3A_302 = tpu.memref_slice %arg2[%mul3A_2, %dma_wait3A_301] : memref<1344x128xi32, #tpu.memory_space<hbm>> -> memref<40x128xi32, #tpu.memory_space<hbm>>
      tpu.wait_dma2 semaphore(%run_scoped3A : memref<!tpu.dma_semaphore, #tpu.memory_space<semaphore_mem>>) src(%dma_wait3A_302 : memref<40x128xi32, #tpu.memory_space<hbm>>) dst(%arg5 : memref<40x128xi32, #tpu.memory_space<vmem>>)
      tpu.yield
    }) : () -> ()
    %broadcast_in_dim3A = arith.constant 1.000000e+00 : f32
    %broadcast_in_dim3A_3 = vector.broadcast %broadcast_in_dim3A : f32 to vector<16xf32>
    %swap3A = arith.constant 0 : index
    %swap3A_4 = tpu.vector_load %arg6[%swap3A] {strides = array<i32>} : memref<128xf32, #tpu.memory_space<vmem>>, vector<16xf32>,
    %swap3A_5 = vector.shape_cast %swap3A_4 : vector<16xf32> to vector<16xf32>
    %swap3A_6 = vector.shape_cast %broadcast_in_dim3A_3 : vector<16xf32> to vector<16xf32>
    tpu.vector_store %arg6[%swap3A], %swap3A_6 {strides = array<i32>} : memref<128xf32, #tpu.memory_space<vmem>>, vector<16xf32>,
    %broadcast_in_dim3A_7 = arith.constant 1.000000e+00 : f32
    %broadcast_in_dim3A_8 = vector.broadcast %broadcast_in_dim3A_7 : f32 to vector<16xf32>
    %swap3A_9 = arith.constant 16 : index
    %swap3A_10 = tpu.vector_load %arg6[%swap3A_9] {strides = array<i32>} : memref<128xf32, #tpu.memory_space<vmem>>, vector<16xf32>,
    %swap3A_11 = vector.shape_cast %swap3A_10 : vector<16xf32> to vector<16xf32>
    %swap3A_12 = vector.shape_cast %broadcast_in_dim3A_8 : vector<16xf32> to vector<16xf32>
    tpu.vector_store %arg6[%swap3A_9], %swap3A_12 {strides = array<i32>} : memref<128xf32, #tpu.memory_space<vmem>>, vector<16xf32>,
    %broadcast_in_dim3A_13 = arith.constant 1.000000e+00 : f32
    %broadcast_in_dim3A_14 = vector.broadcast %broadcast_in_dim3A_13 : f32 to vector<16xf32>
    %swap3A_15 = arith.constant 32 : index
    %swap3A_16 = tpu.vector_load %arg6[%swap3A_15] {strides = array<i32>} : memref<128xf32, #tpu.memory_space<vmem>>, vector<16xf32>,
    %swap3A_17 = vector.shape_cast %swap3A_16 : vector<16xf32> to vector<16xf32>
    %swap3A_18 = vector.shape_cast %broadcast_in_dim3A_14 : vector<16xf32> to vector<16xf32>
    tpu.vector_store %arg6[%swap3A_15], %swap3A_18 {strides = array<i32>} : memref<128xf32, #tpu.memory_space<vmem>>, vector<16xf32>,
    %broadcast_in_dim3A_19 = arith.constant 1.000000e+00 : f32
    %broadcast_in_dim3A_20 = vector.broadcast %broadcast_in_dim3A_19 : f32 to vector<16xf32>
    %swap3A_21 = arith.constant 48 : index
    %swap3A_22 = tpu.vector_load %arg6[%swap3A_21] {strides = array<i32>} : memref<128xf32, #tpu.memory_space<vmem>>, vector<16xf32>,
    %swap3A_23 = vector.shape_cast %swap3A_22 : vector<16xf32> to vector<16xf32>
    %swap3A_24 = vector.shape_cast %broadcast_in_dim3A_20 : vector<16xf32> to vector<16xf32>
    tpu.vector_store %arg6[%swap3A_21], %swap3A_24 {strides = array<i32>} : memref<128xf32, #tpu.memory_space<vmem>>, vector<16xf32>,
    %broadcast_in_dim3A_25 = arith.constant 1.000000e+00 : f32
    %broadcast_in_dim3A_26 = vector.broadcast %broadcast_in_dim3A_25 : f32 to vector<16xf32>
    %swap3A_27 = arith.constant 64 : index
    %swap3A_28 = tpu.vector_load %arg6[%swap3A_27] {strides = array<i32>} : memref<128xf32, #tpu.memory_space<vmem>>, vector<16xf32>,
    %swap3A_29 = vector.shape_cast %swap3A_28 : vector<16xf32> to vector<16xf32>
    %swap3A_30 = vector.shape_cast %broadcast_in_dim3A_26 : vector<16xf32> to vector<16xf32>
    tpu.vector_store %arg6[%swap3A_27], %swap3A_30 {strides = array<i32>} : memref<128xf32, #tpu.memory_space<vmem>>, vector<16xf32>,
    %broadcast_in_dim3A_31 = arith.constant 1.000000e+00 : f32
    %broadcast_in_dim3A_32 = vector.broadcast %broadcast_in_dim3A_31 : f32 to vector<16xf32>
    %swap3A_33 = arith.constant 80 : index
    %swap3A_34 = tpu.vector_load %arg6[%swap3A_33] {strides = array<i32>} : memref<128xf32, #tpu.memory_space<vmem>>, vector<16xf32>,
    %swap3A_35 = vector.shape_cast %swap3A_34 : vector<16xf32> to vector<16xf32>
    %swap3A_36 = vector.shape_cast %broadcast_in_dim3A_32 : vector<16xf32> to vector<16xf32>
    tpu.vector_store %arg6[%swap3A_33], %swap3A_36 {strides = array<i32>} : memref<128xf32, #tpu.memory_space<vmem>>, vector<16xf32>,
    %broadcast_in_dim3A_37 = arith.constant 1.000000e+00 : f32
    %broadcast_in_dim3A_38 = vector.broadcast %broadcast_in_dim3A_37 : f32 to vector<16xf32>
    %swap3A_39 = arith.constant 96 : index
    %swap3A_40 = tpu.vector_load %arg6[%swap3A_39] {strides = array<i32>} : memref<128xf32, #tpu.memory_space<vmem>>, vector<16xf32>,
    %swap3A_41 = vector.shape_cast %swap3A_40 : vector<16xf32> to vector<16xf32>
    %swap3A_42 = vector.shape_cast %broadcast_in_dim3A_38 : vector<16xf32> to vector<16xf32>
    tpu.vector_store %arg6[%swap3A_39], %swap3A_42 {strides = array<i32>} : memref<128xf32, #tpu.memory_space<vmem>>, vector<16xf32>,
    %broadcast_in_dim3A_43 = arith.constant 1.000000e+00 : f32
    %broadcast_in_dim3A_44 = vector.broadcast %broadcast_in_dim3A_43 : f32 to vector<16xf32>
    %swap3A_45 = arith.constant 112 : index
    %swap3A_46 = tpu.vector_load %arg6[%swap3A_45] {strides = array<i32>} : memref<128xf32, #tpu.memory_space<vmem>>, vector<16xf32>,
    %swap3A_47 = vector.shape_cast %swap3A_46 : vector<16xf32> to vector<16xf32>
    %swap3A_48 = vector.shape_cast %broadcast_in_dim3A_44 : vector<16xf32> to vector<16xf32>
    tpu.vector_store %arg6[%swap3A_45], %swap3A_48 {strides = array<i32>} : memref<128xf32, #tpu.memory_space<vmem>>, vector<16xf32>,
    %broadcast_in_dim3A_49 = arith.constant 0.000000e+00 : f32
    %broadcast_in_dim3A_50 = vector.broadcast %broadcast_in_dim3A_49 : f32 to vector<16xf32>
    %swap3A_51 = arith.constant 0 : index
    %swap3A_52 = tpu.vector_load %arg7[%swap3A_51] {strides = array<i32>} : memref<640xf32, #tpu.memory_space<vmem>>, vector<16xf32>,
    %swap3A_53 = vector.shape_cast %swap3A_52 : vector<16xf32> to vector<16xf32>
    %swap3A_54 = vector.shape_cast %broadcast_in_dim3A_50 : vector<16xf32> to vector<16xf32>
    tpu.vector_store %arg7[%swap3A_51], %swap3A_54 {strides = array<i32>} : memref<640xf32, #tpu.memory_space<vmem>>, vector<16xf32>,
    %broadcast_in_dim3A_55 = arith.constant 0.000000e+00 : f32
    %broadcast_in_dim3A_56 = vector.broadcast %broadcast_in_dim3A_55 : f32 to vector<16xf32>
    %swap3A_57 = arith.constant 16 : index
    %swap3A_58 = tpu.vector_load %arg7[%swap3A_57] {strides = array<i32>} : memref<640xf32, #tpu.memory_space<vmem>>, vector<16xf32>,
    %swap3A_59 = vector.shape_cast %swap3A_58 : vector<16xf32> to vector<16xf32>
    %swap3A_60 = vector.shape_cast %broadcast_in_dim3A_56 : vector<16xf32> to vector<16xf32>
    tpu.vector_store %arg7[%swap3A_57], %swap3A_60 {strides = array<i32>} : memref<640xf32, #tpu.memory_space<vmem>>, vector<16xf32>,
    %broadcast_in_dim3A_61 = arith.constant 0.000000e+00 : f32
    %broadcast_in_dim3A_62 = vector.broadcast %broadcast_in_dim3A_61 : f32 to vector<16xf32>
    %swap3A_63 = arith.constant 32 : index
    %swap3A_64 = tpu.vector_load %arg7[%swap3A_63] {strides = array<i32>} : memref<640xf32, #tpu.memory_space<vmem>>, vector<16xf32>,
    %swap3A_65 = vector.shape_cast %swap3A_64 : vector<16xf32> to vector<16xf32>
    %swap3A_66 = vector.shape_cast %broadcast_in_dim3A_62 : vector<16xf32> to vector<16xf32>
    tpu.vector_store %arg7[%swap3A_63], %swap3A_66 {strides = array<i32>} : memref<640xf32, #tpu.memory_space<vmem>>, vector<16xf32>,
    %broadcast_in_dim3A_67 = arith.constant 0.000000e+00 : f32
    %broadcast_in_dim3A_68 = vector.broadcast %broadcast_in_dim3A_67 : f32 to vector<16xf32>
    %swap3A_69 = arith.constant 48 : index
    %swap3A_70 = tpu.vector_load %arg7[%swap3A_69] {strides = array<i32>} : memref<640xf32, #tpu.memory_space<vmem>>, vector<16xf32>,
    %swap3A_71 = vector.shape_cast %swap3A_70 : vector<16xf32> to vector<16xf32>
    %swap3A_72 = vector.shape_cast %broadcast_in_dim3A_68 : vector<16xf32> to vector<16xf32>
    tpu.vector_store %arg7[%swap3A_69], %swap3A_72 {strides = array<i32>} : memref<640xf32, #tpu.memory_space<vmem>>, vector<16xf32>,
    %broadcast_in_dim3A_73 = arith.constant 0.000000e+00 : f32
    %broadcast_in_dim3A_74 = vector.broadcast %broadcast_in_dim3A_73 : f32 to vector<16xf32>
    %swap3A_75 = arith.constant 64 : index
    %swap3A_76 = tpu.vector_load %arg7[%swap3A_75] {strides = array<i32>} : memref<640xf32, #tpu.memory_space<vmem>>, vector<16xf32>,
    %swap3A_77 = vector.shape_cast %swap3A_76 : vector<16xf32> to vector<16xf32>
    %swap3A_78 = vector.shape_cast %broadcast_in_dim3A_74 : vector<16xf32> to vector<16xf32>
    tpu.vector_store %arg7[%swap3A_75], %swap3A_78 {strides = array<i32>} : memref<640xf32, #tpu.memory_space<vmem>>, vector<16xf32>,
    %broadcast_in_dim3A_79 = arith.constant 0.000000e+00 : f32
    %broadcast_in_dim3A_80 = vector.broadcast %broadcast_in_dim3A_79 : f32 to vector<16xf32>
    %swap3A_81 = arith.constant 80 : index
    %swap3A_82 = tpu.vector_load %arg7[%swap3A_81] {strides = array<i32>} : memref<640xf32, #tpu.memory_space<vmem>>, vector<16xf32>,
    %swap3A_83 = vector.shape_cast %swap3A_82 : vector<16xf32> to vector<16xf32>
    %swap3A_84 = vector.shape_cast %broadcast_in_dim3A_80 : vector<16xf32> to vector<16xf32>
    tpu.vector_store %arg7[%swap3A_81], %swap3A_84 {strides = array<i32>} : memref<640xf32, #tpu.memory_space<vmem>>, vector<16xf32>,
    %broadcast_in_dim3A_85 = arith.constant 0.000000e+00 : f32
    %broadcast_in_dim3A_86 = vector.broadcast %broadcast_in_dim3A_85 : f32 to vector<16xf32>
    %swap3A_87 = arith.constant 96 : index
    %swap3A_88 = tpu.vector_load %arg7[%swap3A_87] {strides = array<i32>} : memref<640xf32, #tpu.memory_space<vmem>>, vector<16xf32>,
    %swap3A_89 = vector.shape_cast %swap3A_88 : vector<16xf32> to vector<16xf32>
    %swap3A_90 = vector.shape_cast %broadcast_in_dim3A_86 : vector<16xf32> to vector<16xf32>
    tpu.vector_store %arg7[%swap3A_87], %swap3A_90 {strides = array<i32>} : memref<640xf32, #tpu.memory_space<vmem>>, vector<16xf32>,
    %broadcast_in_dim3A_91 = arith.constant 0.000000e+00 : f32
    %broadcast_in_dim3A_92 = vector.broadcast %broadcast_in_dim3A_91 : f32 to vector<16xf32>
    %swap3A_93 = arith.constant 112 : index
    %swap3A_94 = tpu.vector_load %arg7[%swap3A_93] {strides = array<i32>} : memref<640xf32, #tpu.memory_space<vmem>>, vector<16xf32>,
    %swap3A_95 = vector.shape_cast %swap3A_94 : vector<16xf32> to vector<16xf32>
    %swap3A_96 = vector.shape_cast %broadcast_in_dim3A_92 : vector<16xf32> to vector<16xf32>
    tpu.vector_store %arg7[%swap3A_93], %swap3A_96 {strides = array<i32>} : memref<640xf32, #tpu.memory_space<vmem>>, vector<16xf32>,
    %broadcast_in_dim3A_97 = arith.constant 0.000000e+00 : f32
    %broadcast_in_dim3A_98 = vector.broadcast %broadcast_in_dim3A_97 : f32 to vector<16xf32>
    %swap3A_99 = arith.constant 128 : index
    %swap3A_100 = tpu.vector_load %arg7[%swap3A_99] {strides = array<i32>} : memref<640xf32, #tpu.memory_space<vmem>>, vector<16xf32>,
    %swap3A_101 = vector.shape_cast %swap3A_100 : vector<16xf32> to vector<16xf32>
    %swap3A_102 = vector.shape_cast %broadcast_in_dim3A_98 : vector<16xf32> to vector<16xf32>
    tpu.vector_store %arg7[%swap3A_99], %swap3A_102 {strides = array<i32>} : memref<640xf32, #tpu.memory_space<vmem>>, vector<16xf32>,
    %broadcast_in_dim3A_103 = arith.constant 0.000000e+00 : f32
    %broadcast_in_dim3A_104 = vector.broadcast %broadcast_in_dim3A_103 : f32 to vector<16xf32>
    %swap3A_105 = arith.constant 144 : index
    %swap3A_106 = tpu.vector_load %arg7[%swap3A_105] {strides = array<i32>} : memref<640xf32, #tpu.memory_space<vmem>>, vector<16xf32>,
    %swap3A_107 = vector.shape_cast %swap3A_106 : vector<16xf32> to vector<16xf32>
    %swap3A_108 = vector.shape_cast %broadcast_in_dim3A_104 : vector<16xf32> to vector<16xf32>
    tpu.vector_store %arg7[%swap3A_105], %swap3A_108 {strides = array<i32>} : memref<640xf32, #tpu.memory_space<vmem>>, vector<16xf32>,
    %broadcast_in_dim3A_109 = arith.constant 0.000000e+00 : f32
    %broadcast_in_dim3A_110 = vector.broadcast %broadcast_in_dim3A_109 : f32 to vector<16xf32>
    %swap3A_111 = arith.constant 160 : index
    %swap3A_112 = tpu.vector_load %arg7[%swap3A_111] {strides = array<i32>} : memref<640xf32, #tpu.memory_space<vmem>>, vector<16xf32>,
    %swap3A_113 = vector.shape_cast %swap3A_112 : vector<16xf32> to vector<16xf32>
    %swap3A_114 = vector.shape_cast %broadcast_in_dim3A_110 : vector<16xf32> to vector<16xf32>
    tpu.vector_store %arg7[%swap3A_111], %swap3A_114 {strides = array<i32>} : memref<640xf32, #tpu.memory_space<vmem>>, vector<16xf32>,
    %broadcast_in_dim3A_115 = arith.constant 0.000000e+00 : f32
    %broadcast_in_dim3A_116 = vector.broadcast %broadcast_in_dim3A_115 : f32 to vector<16xf32>
    %swap3A_117 = arith.constant 176 : index
    %swap3A_118 = tpu.vector_load %arg7[%swap3A_117] {strides = array<i32>} : memref<640xf32, #tpu.memory_space<vmem>>, vector<16xf32>,
    %swap3A_119 = vector.shape_cast %swap3A_118 : vector<16xf32> to vector<16xf32>
    %swap3A_120 = vector.shape_cast %broadcast_in_dim3A_116 : vector<16xf32> to vector<16xf32>
    tpu.vector_store %arg7[%swap3A_117], %swap3A_120 {strides = array<i32>} : memref<640xf32, #tpu.memory_space<vmem>>, vector<16xf32>,
    %broadcast_in_dim3A_121 = arith.constant 0.000000e+00 : f32
    %broadcast_in_dim3A_122 = vector.broadcast %broadcast_in_dim3A_121 : f32 to vector<16xf32>
    %swap3A_123 = arith.constant 192 : index
    %swap3A_124 = tpu.vector_load %arg7[%swap3A_123] {strides = array<i32>} : memref<640xf32, #tpu.memory_space<vmem>>, vector<16xf32>,
    %swap3A_125 = vector.shape_cast %swap3A_124 : vector<16xf32> to vector<16xf32>
    %swap3A_126 = vector.shape_cast %broadcast_in_dim3A_122 : vector<16xf32> to vector<16xf32>
    tpu.vector_store %arg7[%swap3A_123], %swap3A_126 {strides = array<i32>} : memref<640xf32, #tpu.memory_space<vmem>>, vector<16xf32>,
    %broadcast_in_dim3A_127 = arith.constant 0.000000e+00 : f32
    %broadcast_in_dim3A_128 = vector.broadcast %broadcast_in_dim3A_127 : f32 to vector<16xf32>
    %swap3A_129 = arith.constant 208 : index
    %swap3A_130 = tpu.vector_load %arg7[%swap3A_129] {strides = array<i32>} : memref<640xf32, #tpu.memory_space<vmem>>, vector<16xf32>,
    %swap3A_131 = vector.shape_cast %swap3A_130 : vector<16xf32> to vector<16xf32>
    %swap3A_132 = vector.shape_cast %broadcast_in_dim3A_128 : vector<16xf32> to vector<16xf32>
    tpu.vector_store %arg7[%swap3A_129], %swap3A_132 {strides = array<i32>} : memref<640xf32, #tpu.memory_space<vmem>>, vector<16xf32>,
    %broadcast_in_dim3A_133 = arith.constant 0.000000e+00 : f32
    %broadcast_in_dim3A_134 = vector.broadcast %broadcast_in_dim3A_133 : f32 to vector<16xf32>
    %swap3A_135 = arith.constant 224 : index
    %swap3A_136 = tpu.vector_load %arg7[%swap3A_135] {strides = array<i32>} : memref<640xf32, #tpu.memory_space<vmem>>, vector<16xf32>,
    %swap3A_137 = vector.shape_cast %swap3A_136 : vector<16xf32> to vector<16xf32>
    %swap3A_138 = vector.shape_cast %broadcast_in_dim3A_134 : vector<16xf32> to vector<16xf32>
    tpu.vector_store %arg7[%swap3A_135], %swap3A_138 {strides = array<i32>} : memref<640xf32, #tpu.memory_space<vmem>>, vector<16xf32>,
    %broadcast_in_dim3A_139 = arith.constant 0.000000e+00 : f32
    %broadcast_in_dim3A_140 = vector.broadcast %broadcast_in_dim3A_139 : f32 to vector<16xf32>
    %swap3A_141 = arith.constant 240 : index
    %swap3A_142 = tpu.vector_load %arg7[%swap3A_141] {strides = array<i32>} : memref<640xf32, #tpu.memory_space<vmem>>, vector<16xf32>,
    %swap3A_143 = vector.shape_cast %swap3A_142 : vector<16xf32> to vector<16xf32>
    %swap3A_144 = vector.shape_cast %broadcast_in_dim3A_140 : vector<16xf32> to vector<16xf32>
    tpu.vector_store %arg7[%swap3A_141], %swap3A_144 {strides = array<i32>} : memref<640xf32, #tpu.memory_space<vmem>>, vector<16xf32>,
    %broadcast_in_dim3A_145 = arith.constant 0.000000e+00 : f32
    %broadcast_in_dim3A_146 = vector.broadcast %broadcast_in_dim3A_145 : f32 to vector<16xf32>
    %swap3A_147 = arith.constant 256 : index
    %swap3A_148 = tpu.vector_load %arg7[%swap3A_147] {strides = array<i32>} : memref<640xf32, #tpu.memory_space<vmem>>, vector<16xf32>,
    %swap3A_149 = vector.shape_cast %swap3A_148 : vector<16xf32> to vector<16xf32>
    %swap3A_150 = vector.shape_cast %broadcast_in_dim3A_146 : vector<16xf32> to vector<16xf32>
    tpu.vector_store %arg7[%swap3A_147], %swap3A_150 {strides = array<i32>} : memref<640xf32, #tpu.memory_space<vmem>>, vector<16xf32>,
    %broadcast_in_dim3A_151 = arith.constant 0.000000e+00 : f32
    %broadcast_in_dim3A_152 = vector.broadcast %broadcast_in_dim3A_151 : f32 to vector<16xf32>
    %swap3A_153 = arith.constant 272 : index
    %swap3A_154 = tpu.vector_load %arg7[%swap3A_153] {strides = array<i32>} : memref<640xf32, #tpu.memory_space<vmem>>, vector<16xf32>,
    %swap3A_155 = vector.shape_cast %swap3A_154 : vector<16xf32> to vector<16xf32>
    %swap3A_156 = vector.shape_cast %broadcast_in_dim3A_152 : vector<16xf32> to vector<16xf32>
    tpu.vector_store %arg7[%swap3A_153], %swap3A_156 {strides = array<i32>} : memref<640xf32, #tpu.memory_space<vmem>>, vector<16xf32>,
    %broadcast_in_dim3A_157 = arith.constant 0.000000e+00 : f32
    %broadcast_in_dim3A_158 = vector.broadcast %broadcast_in_dim3A_157 : f32 to vector<16xf32>
    %swap3A_159 = arith.constant 288 : index
    %swap3A_160 = tpu.vector_load %arg7[%swap3A_159] {strides = array<i32>} : memref<640xf32, #tpu.memory_space<vmem>>, vector<16xf32>,
    %swap3A_161 = vector.shape_cast %swap3A_160 : vector<16xf32> to vector<16xf32>
    %swap3A_162 = vector.shape_cast %broadcast_in_dim3A_158 : vector<16xf32> to vector<16xf32>
    tpu.vector_store %arg7[%swap3A_159], %swap3A_162 {strides = array<i32>} : memref<640xf32, #tpu.memory_space<vmem>>, vector<16xf32>,
    %broadcast_in_dim3A_163 = arith.constant 0.000000e+00 : f32
    %broadcast_in_dim3A_164 = vector.broadcast %broadcast_in_dim3A_163 : f32 to vector<16xf32>
    %swap3A_165 = arith.constant 304 : index
    %swap3A_166 = tpu.vector_load %arg7[%swap3A_165] {strides = array<i32>} : memref<640xf32, #tpu.memory_space<vmem>>, vector<16xf32>,
    %swap3A_167 = vector.shape_cast %swap3A_166 : vector<16xf32> to vector<16xf32>
    %swap3A_168 = vector.shape_cast %broadcast_in_dim3A_164 : vector<16xf32> to vector<16xf32>
    tpu.vector_store %arg7[%swap3A_165], %swap3A_168 {strides = array<i32>} : memref<640xf32, #tpu.memory_space<vmem>>, vector<16xf32>,
    %broadcast_in_dim3A_169 = arith.constant 0.000000e+00 : f32
    %broadcast_in_dim3A_170 = vector.broadcast %broadcast_in_dim3A_169 : f32 to vector<16xf32>
    %swap3A_171 = arith.constant 320 : index
    %swap3A_172 = tpu.vector_load %arg7[%swap3A_171] {strides = array<i32>} : memref<640xf32, #tpu.memory_space<vmem>>, vector<16xf32>,
    %swap3A_173 = vector.shape_cast %swap3A_172 : vector<16xf32> to vector<16xf32>
    %swap3A_174 = vector.shape_cast %broadcast_in_dim3A_170 : vector<16xf32> to vector<16xf32>
    tpu.vector_store %arg7[%swap3A_171], %swap3A_174 {strides = array<i32>} : memref<640xf32, #tpu.memory_space<vmem>>, vector<16xf32>,
    %broadcast_in_dim3A_175 = arith.constant 0.000000e+00 : f32
    %broadcast_in_dim3A_176 = vector.broadcast %broadcast_in_dim3A_175 : f32 to vector<16xf32>
    %swap3A_177 = arith.constant 336 : index
    %swap3A_178 = tpu.vector_load %arg7[%swap3A_177] {strides = array<i32>} : memref<640xf32, #tpu.memory_space<vmem>>, vector<16xf32>,
    %swap3A_179 = vector.shape_cast %swap3A_178 : vector<16xf32> to vector<16xf32>
    %swap3A_180 = vector.shape_cast %broadcast_in_dim3A_176 : vector<16xf32> to vector<16xf32>
    tpu.vector_store %arg7[%swap3A_177], %swap3A_180 {strides = array<i32>} : memref<640xf32, #tpu.memory_space<vmem>>, vector<16xf32>,
    %broadcast_in_dim3A_181 = arith.constant 0.000000e+00 : f32
    %broadcast_in_dim3A_182 = vector.broadcast %broadcast_in_dim3A_181 : f32 to vector<16xf32>
    %swap3A_183 = arith.constant 352 : index
    %swap3A_184 = tpu.vector_load %arg7[%swap3A_183] {strides = array<i32>} : memref<640xf32, #tpu.memory_space<vmem>>, vector<16xf32>,
    %swap3A_185 = vector.shape_cast %swap3A_184 : vector<16xf32> to vector<16xf32>
    %swap3A_186 = vector.shape_cast %broadcast_in_dim3A_182 : vector<16xf32> to vector<16xf32>
    tpu.vector_store %arg7[%swap3A_183], %swap3A_186 {strides = array<i32>} : memref<640xf32, #tpu.memory_space<vmem>>, vector<16xf32>,
    %broadcast_in_dim3A_187 = arith.constant 0.000000e+00 : f32
    %broadcast_in_dim3A_188 = vector.broadcast %broadcast_in_dim3A_187 : f32 to vector<16xf32>
    %swap3A_189 = arith.constant 368 : index
    %swap3A_190 = tpu.vector_load %arg7[%swap3A_189] {strides = array<i32>} : memref<640xf32, #tpu.memory_space<vmem>>, vector<16xf32>,
    %swap3A_191 = vector.shape_cast %swap3A_190 : vector<16xf32> to vector<16xf32>
    %swap3A_192 = vector.shape_cast %broadcast_in_dim3A_188 : vector<16xf32> to vector<16xf32>
    tpu.vector_store %arg7[%swap3A_189], %swap3A_192 {strides = array<i32>} : memref<640xf32, #tpu.memory_space<vmem>>, vector<16xf32>,
    %broadcast_in_dim3A_193 = arith.constant 0.000000e+00 : f32
    %broadcast_in_dim3A_194 = vector.broadcast %broadcast_in_dim3A_193 : f32 to vector<16xf32>
    %swap3A_195 = arith.constant 384 : index
    %swap3A_196 = tpu.vector_load %arg7[%swap3A_195] {strides = array<i32>} : memref<640xf32, #tpu.memory_space<vmem>>, vector<16xf32>,
    %swap3A_197 = vector.shape_cast %swap3A_196 : vector<16xf32> to vector<16xf32>
    %swap3A_198 = vector.shape_cast %broadcast_in_dim3A_194 : vector<16xf32> to vector<16xf32>
    tpu.vector_store %arg7[%swap3A_195], %swap3A_198 {strides = array<i32>} : memref<640xf32, #tpu.memory_space<vmem>>, vector<16xf32>,
    %broadcast_in_dim3A_199 = arith.constant 0.000000e+00 : f32
    %broadcast_in_dim3A_200 = vector.broadcast %broadcast_in_dim3A_199 : f32 to vector<16xf32>
    %swap3A_201 = arith.constant 400 : index
    %swap3A_202 = tpu.vector_load %arg7[%swap3A_201] {strides = array<i32>} : memref<640xf32, #tpu.memory_space<vmem>>, vector<16xf32>,
    %swap3A_203 = vector.shape_cast %swap3A_202 : vector<16xf32> to vector<16xf32>
    %swap3A_204 = vector.shape_cast %broadcast_in_dim3A_200 : vector<16xf32> to vector<16xf32>
    tpu.vector_store %arg7[%swap3A_201], %swap3A_204 {strides = array<i32>} : memref<640xf32, #tpu.memory_space<vmem>>, vector<16xf32>,
    %broadcast_in_dim3A_205 = arith.constant 0.000000e+00 : f32
    %broadcast_in_dim3A_206 = vector.broadcast %broadcast_in_dim3A_205 : f32 to vector<16xf32>
    %swap3A_207 = arith.constant 416 : index
    %swap3A_208 = tpu.vector_load %arg7[%swap3A_207] {strides = array<i32>} : memref<640xf32, #tpu.memory_space<vmem>>, vector<16xf32>,
    %swap3A_209 = vector.shape_cast %swap3A_208 : vector<16xf32> to vector<16xf32>
    %swap3A_210 = vector.shape_cast %broadcast_in_dim3A_206 : vector<16xf32> to vector<16xf32>
    tpu.vector_store %arg7[%swap3A_207], %swap3A_210 {strides = array<i32>} : memref<640xf32, #tpu.memory_space<vmem>>, vector<16xf32>,
    %broadcast_in_dim3A_211 = arith.constant 0.000000e+00 : f32
    %broadcast_in_dim3A_212 = vector.broadcast %broadcast_in_dim3A_211 : f32 to vector<16xf32>
    %swap3A_213 = arith.constant 432 : index
    %swap3A_214 = tpu.vector_load %arg7[%swap3A_213] {strides = array<i32>} : memref<640xf32, #tpu.memory_space<vmem>>, vector<16xf32>,
    %swap3A_215 = vector.shape_cast %swap3A_214 : vector<16xf32> to vector<16xf32>
    %swap3A_216 = vector.shape_cast %broadcast_in_dim3A_212 : vector<16xf32> to vector<16xf32>
    tpu.vector_store %arg7[%swap3A_213], %swap3A_216 {strides = array<i32>} : memref<640xf32, #tpu.memory_space<vmem>>, vector<16xf32>,
    %broadcast_in_dim3A_217 = arith.constant 0.000000e+00 : f32
    %broadcast_in_dim3A_218 = vector.broadcast %broadcast_in_dim3A_217 : f32 to vector<16xf32>
    %swap3A_219 = arith.constant 448 : index
    %swap3A_220 = tpu.vector_load %arg7[%swap3A_219] {strides = array<i32>} : memref<640xf32, #tpu.memory_space<vmem>>, vector<16xf32>,
    %swap3A_221 = vector.shape_cast %swap3A_220 : vector<16xf32> to vector<16xf32>
    %swap3A_222 = vector.shape_cast %broadcast_in_dim3A_218 : vector<16xf32> to vector<16xf32>
    tpu.vector_store %arg7[%swap3A_219], %swap3A_222 {strides = array<i32>} : memref<640xf32, #tpu.memory_space<vmem>>, vector<16xf32>,
    %broadcast_in_dim3A_223 = arith.constant 0.000000e+00 : f32
    %broadcast_in_dim3A_224 = vector.broadcast %broadcast_in_dim3A_223 : f32 to vector<16xf32>
    %swap3A_225 = arith.constant 464 : index
    %swap3A_226 = tpu.vector_load %arg7[%swap3A_225] {strides = array<i32>} : memref<640xf32, #tpu.memory_space<vmem>>, vector<16xf32>,
    %swap3A_227 = vector.shape_cast %swap3A_226 : vector<16xf32> to vector<16xf32>
    %swap3A_228 = vector.shape_cast %broadcast_in_dim3A_224 : vector<16xf32> to vector<16xf32>
    tpu.vector_store %arg7[%swap3A_225], %swap3A_228 {strides = array<i32>} : memref<640xf32, #tpu.memory_space<vmem>>, vector<16xf32>,
    %broadcast_in_dim3A_229 = arith.constant 0.000000e+00 : f32
    %broadcast_in_dim3A_230 = vector.broadcast %broadcast_in_dim3A_229 : f32 to vector<16xf32>
    %swap3A_231 = arith.constant 480 : index
    %swap3A_232 = tpu.vector_load %arg7[%swap3A_231] {strides = array<i32>} : memref<640xf32, #tpu.memory_space<vmem>>, vector<16xf32>,
    %swap3A_233 = vector.shape_cast %swap3A_232 : vector<16xf32> to vector<16xf32>
    %swap3A_234 = vector.shape_cast %broadcast_in_dim3A_230 : vector<16xf32> to vector<16xf32>
    tpu.vector_store %arg7[%swap3A_231], %swap3A_234 {strides = array<i32>} : memref<640xf32, #tpu.memory_space<vmem>>, vector<16xf32>,
    %broadcast_in_dim3A_235 = arith.constant 0.000000e+00 : f32
    %broadcast_in_dim3A_236 = vector.broadcast %broadcast_in_dim3A_235 : f32 to vector<16xf32>
    %swap3A_237 = arith.constant 496 : index
    %swap3A_238 = tpu.vector_load %arg7[%swap3A_237] {strides = array<i32>} : memref<640xf32, #tpu.memory_space<vmem>>, vector<16xf32>,
    %swap3A_239 = vector.shape_cast %swap3A_238 : vector<16xf32> to vector<16xf32>
    %swap3A_240 = vector.shape_cast %broadcast_in_dim3A_236 : vector<16xf32> to vector<16xf32>
    tpu.vector_store %arg7[%swap3A_237], %swap3A_240 {strides = array<i32>} : memref<640xf32, #tpu.memory_space<vmem>>, vector<16xf32>,
    %broadcast_in_dim3A_241 = arith.constant 0.000000e+00 : f32
    %broadcast_in_dim3A_242 = vector.broadcast %broadcast_in_dim3A_241 : f32 to vector<16xf32>
    %swap3A_243 = arith.constant 512 : index
    %swap3A_244 = tpu.vector_load %arg7[%swap3A_243] {strides = array<i32>} : memref<640xf32, #tpu.memory_space<vmem>>, vector<16xf32>,
    %swap3A_245 = vector.shape_cast %swap3A_244 : vector<16xf32> to vector<16xf32>
    %swap3A_246 = vector.shape_cast %broadcast_in_dim3A_242 : vector<16xf32> to vector<16xf32>
    tpu.vector_store %arg7[%swap3A_243], %swap3A_246 {strides = array<i32>} : memref<640xf32, #tpu.memory_space<vmem>>, vector<16xf32>,
    %broadcast_in_dim3A_247 = arith.constant 0.000000e+00 : f32
    %broadcast_in_dim3A_248 = vector.broadcast %broadcast_in_dim3A_247 : f32 to vector<16xf32>
    %swap3A_249 = arith.constant 528 : index
    %swap3A_250 = tpu.vector_load %arg7[%swap3A_249] {strides = array<i32>} : memref<640xf32, #tpu.memory_space<vmem>>, vector<16xf32>,
    %swap3A_251 = vector.shape_cast %swap3A_250 : vector<16xf32> to vector<16xf32>
    %swap3A_252 = vector.shape_cast %broadcast_in_dim3A_248 : vector<16xf32> to vector<16xf32>
    tpu.vector_store %arg7[%swap3A_249], %swap3A_252 {strides = array<i32>} : memref<640xf32, #tpu.memory_space<vmem>>, vector<16xf32>,
    %broadcast_in_dim3A_253 = arith.constant 0.000000e+00 : f32
    %broadcast_in_dim3A_254 = vector.broadcast %broadcast_in_dim3A_253 : f32 to vector<16xf32>
    %swap3A_255 = arith.constant 544 : index
    %swap3A_256 = tpu.vector_load %arg7[%swap3A_255] {strides = array<i32>} : memref<640xf32, #tpu.memory_space<vmem>>, vector<16xf32>,
    %swap3A_257 = vector.shape_cast %swap3A_256 : vector<16xf32> to vector<16xf32>
    %swap3A_258 = vector.shape_cast %broadcast_in_dim3A_254 : vector<16xf32> to vector<16xf32>
    tpu.vector_store %arg7[%swap3A_255], %swap3A_258 {strides = array<i32>} : memref<640xf32, #tpu.memory_space<vmem>>, vector<16xf32>,
    %broadcast_in_dim3A_259 = arith.constant 0.000000e+00 : f32
    %broadcast_in_dim3A_260 = vector.broadcast %broadcast_in_dim3A_259 : f32 to vector<16xf32>
    %swap3A_261 = arith.constant 560 : index
    %swap3A_262 = tpu.vector_load %arg7[%swap3A_261] {strides = array<i32>} : memref<640xf32, #tpu.memory_space<vmem>>, vector<16xf32>,
    %swap3A_263 = vector.shape_cast %swap3A_262 : vector<16xf32> to vector<16xf32>
    %swap3A_264 = vector.shape_cast %broadcast_in_dim3A_260 : vector<16xf32> to vector<16xf32>
    tpu.vector_store %arg7[%swap3A_261], %swap3A_264 {strides = array<i32>} : memref<640xf32, #tpu.memory_space<vmem>>, vector<16xf32>,
    %broadcast_in_dim3A_265 = arith.constant 0.000000e+00 : f32
    %broadcast_in_dim3A_266 = vector.broadcast %broadcast_in_dim3A_265 : f32 to vector<16xf32>
    %swap3A_267 = arith.constant 576 : index
    %swap3A_268 = tpu.vector_load %arg7[%swap3A_267] {strides = array<i32>} : memref<640xf32, #tpu.memory_space<vmem>>, vector<16xf32>,
    %swap3A_269 = vector.shape_cast %swap3A_268 : vector<16xf32> to vector<16xf32>
    %swap3A_270 = vector.shape_cast %broadcast_in_dim3A_266 : vector<16xf32> to vector<16xf32>
    tpu.vector_store %arg7[%swap3A_267], %swap3A_270 {strides = array<i32>} : memref<640xf32, #tpu.memory_space<vmem>>, vector<16xf32>,
    %broadcast_in_dim3A_271 = arith.constant 0.000000e+00 : f32
    %broadcast_in_dim3A_272 = vector.broadcast %broadcast_in_dim3A_271 : f32 to vector<16xf32>
    %swap3A_273 = arith.constant 592 : index
    %swap3A_274 = tpu.vector_load %arg7[%swap3A_273] {strides = array<i32>} : memref<640xf32, #tpu.memory_space<vmem>>, vector<16xf32>,
    %swap3A_275 = vector.shape_cast %swap3A_274 : vector<16xf32> to vector<16xf32>
    %swap3A_276 = vector.shape_cast %broadcast_in_dim3A_272 : vector<16xf32> to vector<16xf32>
    tpu.vector_store %arg7[%swap3A_273], %swap3A_276 {strides = array<i32>} : memref<640xf32, #tpu.memory_space<vmem>>, vector<16xf32>,
    %broadcast_in_dim3A_277 = arith.constant 0.000000e+00 : f32
    %broadcast_in_dim3A_278 = vector.broadcast %broadcast_in_dim3A_277 : f32 to vector<16xf32>
    %swap3A_279 = arith.constant 608 : index
    %swap3A_280 = tpu.vector_load %arg7[%swap3A_279] {strides = array<i32>} : memref<640xf32, #tpu.memory_space<vmem>>, vector<16xf32>,
    %swap3A_281 = vector.shape_cast %swap3A_280 : vector<16xf32> to vector<16xf32>
    %swap3A_282 = vector.shape_cast %broadcast_in_dim3A_278 : vector<16xf32> to vector<16xf32>
    tpu.vector_store %arg7[%swap3A_279], %swap3A_282 {strides = array<i32>} : memref<640xf32, #tpu.memory_space<vmem>>, vector<16xf32>,
    %broadcast_in_dim3A_283 = arith.constant 0.000000e+00 : f32
    %broadcast_in_dim3A_284 = vector.broadcast %broadcast_in_dim3A_283 : f32 to vector<16xf32>
    %swap3A_285 = arith.constant 624 : index
    %swap3A_286 = tpu.vector_load %arg7[%swap3A_285] {strides = array<i32>} : memref<640xf32, #tpu.memory_space<vmem>>, vector<16xf32>,
    %swap3A_287 = vector.shape_cast %swap3A_286 : vector<16xf32> to vector<16xf32>
    %swap3A_288 = vector.shape_cast %broadcast_in_dim3A_284 : vector<16xf32> to vector<16xf32>
    tpu.vector_store %arg7[%swap3A_285], %swap3A_288 {strides = array<i32>} : memref<640xf32, #tpu.memory_space<vmem>>, vector<16xf32>,
    %mul3A_289 = arith.constant 640 : i32
    %mul3A_290 = arith.muli %arg1, %mul3A_289 : i32
    "tpu.region"() ({
      %run_scoped3A = tpu.sem_alloc : memref<!tpu.dma_semaphore, #tpu.memory_space<semaphore_mem>>
      %dma_start3A = tpu.memref_slice %arg4[%mul3A_290] : memref<10240xf32, #tpu.memory_space<vmem_shared>> -> memref<640xf32, #tpu.memory_space<vmem_shared>>
      %dma_start3A_297 = tpu.memref_slice %arg4[%mul3A_290] : memref<10240xf32, #tpu.memory_space<vmem_shared>> -> memref<640xf32, #tpu.memory_space<vmem_shared>>
      tpu.enqueue_dma source(%arg7 : memref<640xf32, #tpu.memory_space<vmem>>) target(%dma_start3A_297 : memref<640xf32, #tpu.memory_space<vmem_shared>>) target_semaphore(%run_scoped3A : memref<!tpu.dma_semaphore, #tpu.memory_space<semaphore_mem>>)
      %dma_wait3A = tpu.memref_slice %arg4[%mul3A_290] : memref<10240xf32, #tpu.memory_space<vmem_shared>> -> memref<640xf32, #tpu.memory_space<vmem_shared>>
      %dma_wait3A_298 = tpu.memref_slice %arg4[%mul3A_290] : memref<10240xf32, #tpu.memory_space<vmem_shared>> -> memref<640xf32, #tpu.memory_space<vmem_shared>>
      tpu.wait_dma2 semaphore(%run_scoped3A : memref<!tpu.dma_semaphore, #tpu.memory_space<semaphore_mem>>) src(%arg7 : memref<640xf32, #tpu.memory_space<vmem>>) dst(%dma_wait3A_298 : memref<640xf32, #tpu.memory_space<vmem_shared>>)
      tpu.yield
    }) : () -> ()
    %barrier3A = arith.constant 0 : index
    tpu.barrier barrier_id(%barrier3A)
    %scan3A = arith.constant 0 : i32
    %scan3A_291 = arith.constant 0 : i32
    %scan3A_292 = arith.constant 40 : i32
    %scan3A_293 = arith.addi %scan3A_291, %scan3A_292 : i32
    %scan3A_294 = arith.constant 1 : i32
    scf.for %scan3A_297 = %scan3A_291 to %scan3A_293 step %scan3A_294  : i32 {
      "tpu.region"() ({
        %run_scoped3A = tpu.sem_alloc : memref<!tpu.dma_semaphore, #tpu.memory_space<semaphore_mem>>
        %dma_start3A = arith.constant 0 : i32
        %dma_start3A_298 = tpu.memref_slice %arg5[%scan3A_297, %dma_start3A] : memref<40x128xi32, #tpu.memory_space<vmem>> -> memref<1x128xi32, #tpu.memory_space<vmem>>
        %dma_start3A_299 = tpu.memref_squeeze %dma_start3A_298 : memref<1x128xi32, #tpu.memory_space<vmem>> -> memref<128xi32, #tpu.memory_space<vmem>>
        %dma_start3A_300 = arith.constant 0 : i32
        %dma_start3A_301 = tpu.memref_slice %arg4[%dma_start3A_300] : memref<10240xf32, #tpu.memory_space<vmem_shared>> -> memref<10240xf32, #tpu.memory_space<vmem_shared>>
        tpu.enqueue_indirect_dma source(%arg6 : memref<128xf32, #tpu.memory_space<vmem>>) target(%dma_start3A_301 : memref<10240xf32, #tpu.memory_space<vmem_shared>>) offsets(%dma_start3A_299 : memref<128xi32, #tpu.memory_space<vmem>>) semaphore(%run_scoped3A : memref<!tpu.dma_semaphore, #tpu.memory_space<semaphore_mem>>) {add = true}
        %dma_wait3A = arith.constant 0 : i32
        %dma_wait3A_302 = tpu.memref_slice %arg5[%scan3A_297, %dma_wait3A] : memref<40x128xi32, #tpu.memory_space<vmem>> -> memref<1x128xi32, #tpu.memory_space<vmem>>
        %dma_wait3A_303 = tpu.memref_squeeze %dma_wait3A_302 : memref<1x128xi32, #tpu.memory_space<vmem>> -> memref<128xi32, #tpu.memory_space<vmem>>
        %dma_wait3A_304 = arith.constant 0 : i32
        %dma_wait3A_305 = tpu.memref_slice %arg4[%dma_wait3A_304] : memref<10240xf32, #tpu.memory_space<vmem_shared>> -> memref<10240xf32, #tpu.memory_space<vmem_shared>>
        tpu.wait_indirect_dma semaphore(%run_scoped3A : memref<!tpu.dma_semaphore, #tpu.memory_space<semaphore_mem>>) src(%arg6 : memref<128xf32, #tpu.memory_space<vmem>>) dst(%dma_wait3A_305 : memref<10240xf32, #tpu.memory_space<vmem_shared>>)
        tpu.yield
      }) : () -> ()
    }
    %scan3A_295 = arith.constant 40 : i32
    %barrier3A_296 = arith.constant 0 : index
    tpu.barrier barrier_id(%barrier3A_296)
    "tpu.region"() ({
      %run_scoped3A = tpu.sem_alloc : memref<!tpu.dma_semaphore, #tpu.memory_space<semaphore_mem>>
      %dma_start3A = tpu.memref_slice %arg3[%arg0, %mul3A_290] : memref<2x10240xf32, #tpu.memory_space<hbm>> -> memref<1x640xf32, #tpu.memory_space<hbm>>
      %dma_start3A_297 = tpu.memref_squeeze %dma_start3A : memref<1x640xf32, #tpu.memory_space<hbm>> -> memref<640xf32, #tpu.memory_space<hbm>>
      %dma_start3A_298 = tpu.memref_slice %arg4[%mul3A_290] : memref<10240xf32, #tpu.memory_space<vmem_shared>> -> memref<640xf32, #tpu.memory_space<vmem_shared>>
      tpu.enqueue_dma source(%dma_start3A_298 : memref<640xf32, #tpu.memory_space<vmem_shared>>) target(%dma_start3A_297 : memref<640xf32, #tpu.memory_space<hbm>>) target_semaphore(%run_scoped3A : memref<!tpu.dma_semaphore, #tpu.memory_space<semaphore_mem>>)
      %dma_wait3A = tpu.memref_slice %arg3[%arg0, %mul3A_290] : memref<2x10240xf32, #tpu.memory_space<hbm>> -> memref<1x640xf32, #tpu.memory_space<hbm>>
      %dma_wait3A_299 = tpu.memref_squeeze %dma_wait3A : memref<1x640xf32, #tpu.memory_space<hbm>> -> memref<640xf32, #tpu.memory_space<hbm>>
      %dma_wait3A_300 = tpu.memref_slice %arg4[%mul3A_290] : memref<10240xf32, #tpu.memory_space<vmem_shared>> -> memref<640xf32, #tpu.memory_space<vmem_shared>>
      tpu.wait_dma2 semaphore(%run_scoped3A : memref<!tpu.dma_semaphore, #tpu.memory_space<semaphore_mem>>) src(%dma_wait3A_300 : memref<640xf32, #tpu.memory_space<vmem_shared>>) dst(%dma_wait3A_299 : memref<640xf32, #tpu.memory_space<hbm>>)
      tpu.yield
    }) : () -> ()
    return
  }
}

#map = affine_map<(d0, d1) -> (0, 0)>
#map1 = affine_map<(d0, d1) -> (0, 0, 0)>
module attributes {stable_mosaic.version = 14 : i64} {
  func.func @_msg_kernel(%arg0: i32, %arg1: i32, %arg2: memref<1344x128xi32, #tpu.memory_space<hbm>>, %arg3: memref<1344x128xi32, #tpu.memory_space<hbm>>, %arg4: memref<10240x128xf32, #tpu.memory_space<hbm>>, %arg5: memref<10240x128xf32, #tpu.memory_space<hbm>>, %arg6: memref<2x10240x128xf32, #tpu.memory_space<hbm>>, %arg7: memref<10240x128xf32, #tpu.memory_space<vmem_shared>>, %arg8: memref<72x128xi32, #tpu.memory_space<vmem>>, %arg9: memref<40x128xi32, #tpu.memory_space<vmem>>, %arg10: memref<128x128xf32, #tpu.memory_space<vmem>>, %arg11: memref<128x128xf32, #tpu.memory_space<vmem>>, %arg12: memref<!tpu.dma_semaphore, #tpu.memory_space<semaphore_mem>>, %arg13: memref<!tpu.dma_semaphore, #tpu.memory_space<semaphore_mem>>) attributes {dimension_semantics = [#tpu.dimension_semantics<core_parallel>, #tpu.dimension_semantics<subcore_parallel>], iteration_bounds = array<i64: 2, 16>, scalar_prefetch = 0 : i64, scratch_operands = 7 : i64, tpu.core_type = #tpu.core_type<sc_vector_subcore>, window_params = [{transform_indices = #map}, {transform_indices = #map}, {transform_indices = #map}, {transform_indices = #map}, {transform_indices = #map1}]} {
    %mul3A = arith.constant 640 : i32
    %mul3A_0 = arith.muli %arg1, %mul3A : i32
    %eq3A = arith.constant 0 : i32
    %eq3A_1 = arith.cmpi eq, %arg0, %eq3A : i32
    %mul3A_2 = arith.constant 72 : i32
    %mul3A_3 = arith.muli %arg1, %mul3A_2 : i32
    %mul3A_4 = arith.constant 8 : i32
    %mul3A_5 = arith.muli %arg1, %mul3A_4 : i32
    %add3A = arith.constant 1152 : i32
    %add3A_6 = arith.addi %add3A, %mul3A_5 : i32
    %select_n3A = arith.select %eq3A_1, %mul3A_3, %add3A_6 : i32
    "tpu.region"() ({
      %run_scoped3A = tpu.sem_alloc : memref<!tpu.dma_semaphore, #tpu.memory_space<semaphore_mem>>
      %dma_start3A = arith.constant 0 : i32
      %dma_start3A_26 = tpu.memref_slice %arg2[%select_n3A, %dma_start3A] : memref<1344x128xi32, #tpu.memory_space<hbm>> -> memref<72x128xi32, #tpu.memory_space<hbm>>
      %dma_start3A_27 = arith.constant 0 : i32
      %dma_start3A_28 = tpu.memref_slice %arg2[%select_n3A, %dma_start3A_27] : memref<1344x128xi32, #tpu.memory_space<hbm>> -> memref<72x128xi32, #tpu.memory_space<hbm>>
      tpu.enqueue_dma source(%dma_start3A_28 : memref<72x128xi32, #tpu.memory_space<hbm>>) target(%arg8 : memref<72x128xi32, #tpu.memory_space<vmem>>) target_semaphore(%run_scoped3A : memref<!tpu.dma_semaphore, #tpu.memory_space<semaphore_mem>>)
      %dma_wait3A = arith.constant 0 : i32
      %dma_wait3A_29 = tpu.memref_slice %arg2[%select_n3A, %dma_wait3A] : memref<1344x128xi32, #tpu.memory_space<hbm>> -> memref<72x128xi32, #tpu.memory_space<hbm>>
      %dma_wait3A_30 = arith.constant 0 : i32
      %dma_wait3A_31 = tpu.memref_slice %arg2[%select_n3A, %dma_wait3A_30] : memref<1344x128xi32, #tpu.memory_space<hbm>> -> memref<72x128xi32, #tpu.memory_space<hbm>>
      tpu.wait_dma2 semaphore(%run_scoped3A : memref<!tpu.dma_semaphore, #tpu.memory_space<semaphore_mem>>) src(%dma_wait3A_31 : memref<72x128xi32, #tpu.memory_space<hbm>>) dst(%arg8 : memref<72x128xi32, #tpu.memory_space<vmem>>)
      tpu.yield
    }) : () -> ()
    %eq3A_7 = arith.constant 0 : i32
    %eq3A_8 = arith.cmpi eq, %arg0, %eq3A_7 : i32
    %convert_element_type3A = arith.extui %eq3A_8 : i1 to i32
    %cond3A = arith.constant 0 : i32
    %cond3A_9 = arith.cmpi ne, %convert_element_type3A, %cond3A : i32
    scf.if %cond3A_9 {
      "tpu.region"() ({
        %run_scoped3A = tpu.sem_alloc : memref<!tpu.dma_semaphore, #tpu.memory_space<semaphore_mem>>
        %dma_start3A = arith.constant 0 : i32
        %dma_start3A_26 = tpu.memref_slice %arg7[%mul3A_0, %dma_start3A] : memref<10240x128xf32, #tpu.memory_space<vmem_shared>> -> memref<640x128xf32, #tpu.memory_space<vmem_shared>>
        %dma_start3A_27 = arith.constant 0 : i32
        %dma_start3A_28 = tpu.memref_slice %arg4[%mul3A_0, %dma_start3A_27] : memref<10240x128xf32, #tpu.memory_space<hbm>> -> memref<640x128xf32, #tpu.memory_space<hbm>>
        tpu.enqueue_dma source(%dma_start3A_28 : memref<640x128xf32, #tpu.memory_space<hbm>>) target(%dma_start3A_26 : memref<640x128xf32, #tpu.memory_space<vmem_shared>>) target_semaphore(%run_scoped3A : memref<!tpu.dma_semaphore, #tpu.memory_space<semaphore_mem>>)
        %dma_wait3A = arith.constant 0 : i32
        %dma_wait3A_29 = tpu.memref_slice %arg7[%mul3A_0, %dma_wait3A] : memref<10240x128xf32, #tpu.memory_space<vmem_shared>> -> memref<640x128xf32, #tpu.memory_space<vmem_shared>>
        %dma_wait3A_30 = arith.constant 0 : i32
        %dma_wait3A_31 = tpu.memref_slice %arg4[%mul3A_0, %dma_wait3A_30] : memref<10240x128xf32, #tpu.memory_space<hbm>> -> memref<640x128xf32, #tpu.memory_space<hbm>>
        tpu.wait_dma2 semaphore(%run_scoped3A : memref<!tpu.dma_semaphore, #tpu.memory_space<semaphore_mem>>) src(%dma_wait3A_31 : memref<640x128xf32, #tpu.memory_space<hbm>>) dst(%dma_wait3A_29 : memref<640x128xf32, #tpu.memory_space<vmem_shared>>)
        tpu.yield
      }) : () -> ()
    } else {
    }
    %eq3A_10 = arith.constant 1 : i32
    %eq3A_11 = arith.cmpi eq, %arg0, %eq3A_10 : i32
    %convert_element_type3A_12 = arith.extui %eq3A_11 : i1 to i32
    %cond3A_13 = arith.constant 0 : i32
    %cond3A_14 = arith.cmpi ne, %convert_element_type3A_12, %cond3A_13 : i32
    scf.if %cond3A_14 {
      "tpu.region"() ({
        %run_scoped3A = tpu.sem_alloc : memref<!tpu.dma_semaphore, #tpu.memory_space<semaphore_mem>>
        %dma_start3A = arith.constant 0 : i32
        %dma_start3A_26 = tpu.memref_slice %arg7[%mul3A_0, %dma_start3A] : memref<10240x128xf32, #tpu.memory_space<vmem_shared>> -> memref<640x128xf32, #tpu.memory_space<vmem_shared>>
        %dma_start3A_27 = arith.constant 0 : i32
        %dma_start3A_28 = tpu.memref_slice %arg5[%mul3A_0, %dma_start3A_27] : memref<10240x128xf32, #tpu.memory_space<hbm>> -> memref<640x128xf32, #tpu.memory_space<hbm>>
        tpu.enqueue_dma source(%dma_start3A_28 : memref<640x128xf32, #tpu.memory_space<hbm>>) target(%dma_start3A_26 : memref<640x128xf32, #tpu.memory_space<vmem_shared>>) target_semaphore(%run_scoped3A : memref<!tpu.dma_semaphore, #tpu.memory_space<semaphore_mem>>)
        %dma_wait3A = arith.constant 0 : i32
        %dma_wait3A_29 = tpu.memref_slice %arg7[%mul3A_0, %dma_wait3A] : memref<10240x128xf32, #tpu.memory_space<vmem_shared>> -> memref<640x128xf32, #tpu.memory_space<vmem_shared>>
        %dma_wait3A_30 = arith.constant 0 : i32
        %dma_wait3A_31 = tpu.memref_slice %arg5[%mul3A_0, %dma_wait3A_30] : memref<10240x128xf32, #tpu.memory_space<hbm>> -> memref<640x128xf32, #tpu.memory_space<hbm>>
        tpu.wait_dma2 semaphore(%run_scoped3A : memref<!tpu.dma_semaphore, #tpu.memory_space<semaphore_mem>>) src(%dma_wait3A_31 : memref<640x128xf32, #tpu.memory_space<hbm>>) dst(%dma_wait3A_29 : memref<640x128xf32, #tpu.memory_space<vmem_shared>>)
        tpu.yield
      }) : () -> ()
    } else {
    }
    %barrier3A = arith.constant 0 : index
    tpu.barrier barrier_id(%barrier3A)
    %eq3A_15 = arith.constant 0 : i32
    %eq3A_16 = arith.cmpi eq, %arg0, %eq3A_15 : i32
    %convert_element_type3A_17 = arith.extui %eq3A_16 : i1 to i32
    %cond3A_18 = arith.constant 0 : i32
    %cond3A_19 = arith.cmpi ne, %convert_element_type3A_17, %cond3A_18 : i32
    scf.if %cond3A_19 {
      %add3A_26 = arith.constant 0 : i32
      %add3A_27 = arith.addi %select_n3A, %add3A_26 : i32
      "tpu.region"() ({
        %run_scoped3A = tpu.sem_alloc : memref<!tpu.dma_semaphore, #tpu.memory_space<semaphore_mem>>
        %dma_start3A_54 = arith.constant 0 : i32
        %dma_start3A_55 = arith.constant 0 : i32
        %dma_start3A_56 = tpu.memref_slice %arg9[%dma_start3A_54, %dma_start3A_55] : memref<40x128xi32, #tpu.memory_space<vmem>> -> memref<40x128xi32, #tpu.memory_space<vmem>>
        %dma_start3A_57 = arith.constant 0 : i32
        %dma_start3A_58 = tpu.memref_slice %arg3[%add3A_27, %dma_start3A_57] : memref<1344x128xi32, #tpu.memory_space<hbm>> -> memref<40x128xi32, #tpu.memory_space<hbm>>
        %dma_start3A_59 = arith.constant 0 : i32
        %dma_start3A_60 = arith.constant 0 : i32
        %dma_start3A_61 = tpu.memref_slice %arg9[%dma_start3A_59, %dma_start3A_60] : memref<40x128xi32, #tpu.memory_space<vmem>> -> memref<40x128xi32, #tpu.memory_space<vmem>>
        %dma_start3A_62 = arith.constant 0 : i32
        %dma_start3A_63 = tpu.memref_slice %arg3[%add3A_27, %dma_start3A_62] : memref<1344x128xi32, #tpu.memory_space<hbm>> -> memref<40x128xi32, #tpu.memory_space<hbm>>
        tpu.enqueue_dma source(%dma_start3A_63 : memref<40x128xi32, #tpu.memory_space<hbm>>) target(%dma_start3A_61 : memref<40x128xi32, #tpu.memory_space<vmem>>) target_semaphore(%run_scoped3A : memref<!tpu.dma_semaphore, #tpu.memory_space<semaphore_mem>>)
        %dma_wait3A = arith.constant 0 : i32
        %dma_wait3A_64 = arith.constant 0 : i32
        %dma_wait3A_65 = tpu.memref_slice %arg9[%dma_wait3A, %dma_wait3A_64] : memref<40x128xi32, #tpu.memory_space<vmem>> -> memref<40x128xi32, #tpu.memory_space<vmem>>
        %dma_wait3A_66 = arith.constant 0 : i32
        %dma_wait3A_67 = tpu.memref_slice %arg3[%add3A_27, %dma_wait3A_66] : memref<1344x128xi32, #tpu.memory_space<hbm>> -> memref<40x128xi32, #tpu.memory_space<hbm>>
        %dma_wait3A_68 = arith.constant 0 : i32
        %dma_wait3A_69 = arith.constant 0 : i32
        %dma_wait3A_70 = tpu.memref_slice %arg9[%dma_wait3A_68, %dma_wait3A_69] : memref<40x128xi32, #tpu.memory_space<vmem>> -> memref<40x128xi32, #tpu.memory_space<vmem>>
        %dma_wait3A_71 = arith.constant 0 : i32
        %dma_wait3A_72 = tpu.memref_slice %arg3[%add3A_27, %dma_wait3A_71] : memref<1344x128xi32, #tpu.memory_space<hbm>> -> memref<40x128xi32, #tpu.memory_space<hbm>>
        tpu.wait_dma2 semaphore(%run_scoped3A : memref<!tpu.dma_semaphore, #tpu.memory_space<semaphore_mem>>) src(%dma_wait3A_72 : memref<40x128xi32, #tpu.memory_space<hbm>>) dst(%dma_wait3A_70 : memref<40x128xi32, #tpu.memory_space<vmem>>)
        tpu.yield
      }) : () -> ()
      %dma_start3A = arith.constant 0 : i32
      %dma_start3A_28 = arith.constant 0 : i32
      %dma_start3A_29 = tpu.memref_slice %arg8[%dma_start3A, %dma_start3A_28] : memref<72x128xi32, #tpu.memory_space<vmem>> -> memref<1x128xi32, #tpu.memory_space<vmem>>
      %dma_start3A_30 = tpu.memref_squeeze %dma_start3A_29 : memref<1x128xi32, #tpu.memory_space<vmem>> -> memref<128xi32, #tpu.memory_space<vmem>>
      %dma_start3A_31 = arith.constant 0 : i32
      %dma_start3A_32 = arith.constant 0 : i32
      %dma_start3A_33 = tpu.memref_slice %arg4[%dma_start3A_31, %dma_start3A_32] : memref<10240x128xf32, #tpu.memory_space<hbm>> -> memref<10240x128xf32, #tpu.memory_space<hbm>>
      tpu.enqueue_indirect_dma source(%dma_start3A_33 : memref<10240x128xf32, #tpu.memory_space<hbm>>) target(%arg10 : memref<128x128xf32, #tpu.memory_space<vmem>>) offsets(%dma_start3A_30 : memref<128xi32, #tpu.memory_space<vmem>>) semaphore(%arg12 : memref<!tpu.dma_semaphore, #tpu.memory_space<semaphore_mem>>)
      %scan3A = arith.constant 0 : i32
      %scan3A_34 = arith.constant 0 : i32
      %scan3A_35 = arith.constant 20 : i32
      %scan3A_36 = arith.addi %scan3A_34, %scan3A_35 : i32
      %scan3A_37 = arith.constant 1 : i32
      scf.for %scan3A_54 = %scan3A_34 to %scan3A_36 step %scan3A_37  : i32 {
        %mul3A_55 = arith.constant 2 : i32
        %mul3A_56 = arith.muli %scan3A_54, %mul3A_55 : i32
        %add3A_57 = arith.constant 0 : i32
        %add3A_58 = arith.addi %add3A_57, %mul3A_56 : i32
        %mul3A_59 = arith.constant 2 : i32
        %mul3A_60 = arith.muli %scan3A_54, %mul3A_59 : i32
        %dma_wait3A = arith.constant 0 : i32
        %dma_wait3A_61 = tpu.memref_slice %arg8[%add3A_58, %dma_wait3A] : memref<72x128xi32, #tpu.memory_space<vmem>> -> memref<1x128xi32, #tpu.memory_space<vmem>>
        %dma_wait3A_62 = tpu.memref_squeeze %dma_wait3A_61 : memref<1x128xi32, #tpu.memory_space<vmem>> -> memref<128xi32, #tpu.memory_space<vmem>>
        %dma_wait3A_63 = arith.constant 0 : i32
        %dma_wait3A_64 = arith.constant 0 : i32
        %dma_wait3A_65 = tpu.memref_slice %arg4[%dma_wait3A_63, %dma_wait3A_64] : memref<10240x128xf32, #tpu.memory_space<hbm>> -> memref<10240x128xf32, #tpu.memory_space<hbm>>
        tpu.wait_indirect_dma semaphore(%arg12 : memref<!tpu.dma_semaphore, #tpu.memory_space<semaphore_mem>>) src(%dma_wait3A_65 : memref<10240x128xf32, #tpu.memory_space<hbm>>) dst(%arg10 : memref<128x128xf32, #tpu.memory_space<vmem>>)
        %add3A_66 = arith.constant 1 : i32
        %add3A_67 = arith.addi %add3A_58, %add3A_66 : i32
        %dma_start3A_68 = arith.constant 0 : i32
        %dma_start3A_69 = tpu.memref_slice %arg8[%add3A_67, %dma_start3A_68] : memref<72x128xi32, #tpu.memory_space<vmem>> -> memref<1x128xi32, #tpu.memory_space<vmem>>
        %dma_start3A_70 = tpu.memref_squeeze %dma_start3A_69 : memref<1x128xi32, #tpu.memory_space<vmem>> -> memref<128xi32, #tpu.memory_space<vmem>>
        %dma_start3A_71 = arith.constant 0 : i32
        %dma_start3A_72 = arith.constant 0 : i32
        %dma_start3A_73 = tpu.memref_slice %arg4[%dma_start3A_71, %dma_start3A_72] : memref<10240x128xf32, #tpu.memory_space<hbm>> -> memref<10240x128xf32, #tpu.memory_space<hbm>>
        tpu.enqueue_indirect_dma source(%dma_start3A_73 : memref<10240x128xf32, #tpu.memory_space<hbm>>) target(%arg11 : memref<128x128xf32, #tpu.memory_space<vmem>>) offsets(%dma_start3A_70 : memref<128xi32, #tpu.memory_space<vmem>>) semaphore(%arg13 : memref<!tpu.dma_semaphore, #tpu.memory_space<semaphore_mem>>)
        "tpu.region"() ({
          %run_scoped3A = tpu.sem_alloc : memref<!tpu.dma_semaphore, #tpu.memory_space<semaphore_mem>>
          %dma_start3A_88 = arith.constant 0 : i32
          %dma_start3A_89 = tpu.memref_slice %arg9[%mul3A_60, %dma_start3A_88] : memref<40x128xi32, #tpu.memory_space<vmem>> -> memref<1x128xi32, #tpu.memory_space<vmem>>
          %dma_start3A_90 = tpu.memref_squeeze %dma_start3A_89 : memref<1x128xi32, #tpu.memory_space<vmem>> -> memref<128xi32, #tpu.memory_space<vmem>>
          %dma_start3A_91 = arith.constant 0 : i32
          %dma_start3A_92 = arith.constant 0 : i32
          %dma_start3A_93 = tpu.memref_slice %arg7[%dma_start3A_91, %dma_start3A_92] : memref<10240x128xf32, #tpu.memory_space<vmem_shared>> -> memref<10240x128xf32, #tpu.memory_space<vmem_shared>>
          tpu.enqueue_indirect_dma source(%arg10 : memref<128x128xf32, #tpu.memory_space<vmem>>) target(%dma_start3A_93 : memref<10240x128xf32, #tpu.memory_space<vmem_shared>>) offsets(%dma_start3A_90 : memref<128xi32, #tpu.memory_space<vmem>>) semaphore(%run_scoped3A : memref<!tpu.dma_semaphore, #tpu.memory_space<semaphore_mem>>) {add = true}
          %dma_wait3A_94 = arith.constant 0 : i32
          %dma_wait3A_95 = tpu.memref_slice %arg9[%mul3A_60, %dma_wait3A_94] : memref<40x128xi32, #tpu.memory_space<vmem>> -> memref<1x128xi32, #tpu.memory_space<vmem>>
          %dma_wait3A_96 = tpu.memref_squeeze %dma_wait3A_95 : memref<1x128xi32, #tpu.memory_space<vmem>> -> memref<128xi32, #tpu.memory_space<vmem>>
          %dma_wait3A_97 = arith.constant 0 : i32
          %dma_wait3A_98 = arith.constant 0 : i32
          %dma_wait3A_99 = tpu.memref_slice %arg7[%dma_wait3A_97, %dma_wait3A_98] : memref<10240x128xf32, #tpu.memory_space<vmem_shared>> -> memref<10240x128xf32, #tpu.memory_space<vmem_shared>>
          tpu.wait_indirect_dma semaphore(%run_scoped3A : memref<!tpu.dma_semaphore, #tpu.memory_space<semaphore_mem>>) src(%arg10 : memref<128x128xf32, #tpu.memory_space<vmem>>) dst(%dma_wait3A_99 : memref<10240x128xf32, #tpu.memory_space<vmem_shared>>)
          tpu.yield
        }) : () -> ()
        %add3A_74 = arith.constant 1 : i32
        %add3A_75 = arith.addi %add3A_58, %add3A_74 : i32
        %dma_wait3A_76 = arith.constant 0 : i32
        %dma_wait3A_77 = tpu.memref_slice %arg8[%add3A_75, %dma_wait3A_76] : memref<72x128xi32, #tpu.memory_space<vmem>> -> memref<1x128xi32, #tpu.memory_space<vmem>>
        %dma_wait3A_78 = tpu.memref_squeeze %dma_wait3A_77 : memref<1x128xi32, #tpu.memory_space<vmem>> -> memref<128xi32, #tpu.memory_space<vmem>>
        %dma_wait3A_79 = arith.constant 0 : i32
        %dma_wait3A_80 = arith.constant 0 : i32
        %dma_wait3A_81 = tpu.memref_slice %arg4[%dma_wait3A_79, %dma_wait3A_80] : memref<10240x128xf32, #tpu.memory_space<hbm>> -> memref<10240x128xf32, #tpu.memory_space<hbm>>
        tpu.wait_indirect_dma semaphore(%arg13 : memref<!tpu.dma_semaphore, #tpu.memory_space<semaphore_mem>>) src(%dma_wait3A_81 : memref<10240x128xf32, #tpu.memory_space<hbm>>) dst(%arg11 : memref<128x128xf32, #tpu.memory_space<vmem>>)
        %lt3A = arith.constant 19 : i32
        %lt3A_82 = arith.cmpi slt, %scan3A_54, %lt3A : i32
        %convert_element_type3A_83 = arith.extui %lt3A_82 : i1 to i32
        %cond3A_84 = arith.constant 0 : i32
        %cond3A_85 = arith.cmpi ne, %convert_element_type3A_83, %cond3A_84 : i32
        scf.if %cond3A_85 {
          %add3A_88 = arith.constant 2 : i32
          %add3A_89 = arith.addi %add3A_58, %add3A_88 : i32
          %dma_start3A_90 = arith.constant 0 : i32
          %dma_start3A_91 = tpu.memref_slice %arg8[%add3A_89, %dma_start3A_90] : memref<72x128xi32, #tpu.memory_space<vmem>> -> memref<1x128xi32, #tpu.memory_space<vmem>>
          %dma_start3A_92 = tpu.memref_squeeze %dma_start3A_91 : memref<1x128xi32, #tpu.memory_space<vmem>> -> memref<128xi32, #tpu.memory_space<vmem>>
          %dma_start3A_93 = arith.constant 0 : i32
          %dma_start3A_94 = arith.constant 0 : i32
          %dma_start3A_95 = tpu.memref_slice %arg4[%dma_start3A_93, %dma_start3A_94] : memref<10240x128xf32, #tpu.memory_space<hbm>> -> memref<10240x128xf32, #tpu.memory_space<hbm>>
          tpu.enqueue_indirect_dma source(%dma_start3A_95 : memref<10240x128xf32, #tpu.memory_space<hbm>>) target(%arg10 : memref<128x128xf32, #tpu.memory_space<vmem>>) offsets(%dma_start3A_92 : memref<128xi32, #tpu.memory_space<vmem>>) semaphore(%arg12 : memref<!tpu.dma_semaphore, #tpu.memory_space<semaphore_mem>>)
        } else {
        }
        %add3A_86 = arith.constant 1 : i32
        %add3A_87 = arith.addi %mul3A_60, %add3A_86 : i32
        "tpu.region"() ({
          %run_scoped3A = tpu.sem_alloc : memref<!tpu.dma_semaphore, #tpu.memory_space<semaphore_mem>>
          %dma_start3A_88 = arith.constant 0 : i32
          %dma_start3A_89 = tpu.memref_slice %arg9[%add3A_87, %dma_start3A_88] : memref<40x128xi32, #tpu.memory_space<vmem>> -> memref<1x128xi32, #tpu.memory_space<vmem>>
          %dma_start3A_90 = tpu.memref_squeeze %dma_start3A_89 : memref<1x128xi32, #tpu.memory_space<vmem>> -> memref<128xi32, #tpu.memory_space<vmem>>
          %dma_start3A_91 = arith.constant 0 : i32
          %dma_start3A_92 = arith.constant 0 : i32
          %dma_start3A_93 = tpu.memref_slice %arg7[%dma_start3A_91, %dma_start3A_92] : memref<10240x128xf32, #tpu.memory_space<vmem_shared>> -> memref<10240x128xf32, #tpu.memory_space<vmem_shared>>
          tpu.enqueue_indirect_dma source(%arg11 : memref<128x128xf32, #tpu.memory_space<vmem>>) target(%dma_start3A_93 : memref<10240x128xf32, #tpu.memory_space<vmem_shared>>) offsets(%dma_start3A_90 : memref<128xi32, #tpu.memory_space<vmem>>) semaphore(%run_scoped3A : memref<!tpu.dma_semaphore, #tpu.memory_space<semaphore_mem>>) {add = true}
          %dma_wait3A_94 = arith.constant 0 : i32
          %dma_wait3A_95 = tpu.memref_slice %arg9[%add3A_87, %dma_wait3A_94] : memref<40x128xi32, #tpu.memory_space<vmem>> -> memref<1x128xi32, #tpu.memory_space<vmem>>
          %dma_wait3A_96 = tpu.memref_squeeze %dma_wait3A_95 : memref<1x128xi32, #tpu.memory_space<vmem>> -> memref<128xi32, #tpu.memory_space<vmem>>
          %dma_wait3A_97 = arith.constant 0 : i32
          %dma_wait3A_98 = arith.constant 0 : i32
          %dma_wait3A_99 = tpu.memref_slice %arg7[%dma_wait3A_97, %dma_wait3A_98] : memref<10240x128xf32, #tpu.memory_space<vmem_shared>> -> memref<10240x128xf32, #tpu.memory_space<vmem_shared>>
          tpu.wait_indirect_dma semaphore(%run_scoped3A : memref<!tpu.dma_semaphore, #tpu.memory_space<semaphore_mem>>) src(%arg11 : memref<128x128xf32, #tpu.memory_space<vmem>>) dst(%dma_wait3A_99 : memref<10240x128xf32, #tpu.memory_space<vmem_shared>>)
          tpu.yield
        }) : () -> ()
      }
      %scan3A_38 = arith.constant 20 : i32
      %add3A_39 = arith.constant 40 : i32
      %add3A_40 = arith.addi %select_n3A, %add3A_39 : i32
      "tpu.region"() ({
        %run_scoped3A = tpu.sem_alloc : memref<!tpu.dma_semaphore, #tpu.memory_space<semaphore_mem>>
        %dma_start3A_54 = arith.constant 0 : i32
        %dma_start3A_55 = arith.constant 0 : i32
        %dma_start3A_56 = tpu.memref_slice %arg9[%dma_start3A_54, %dma_start3A_55] : memref<40x128xi32, #tpu.memory_space<vmem>> -> memref<32x128xi32, #tpu.memory_space<vmem>>
        %dma_start3A_57 = arith.constant 0 : i32
        %dma_start3A_58 = tpu.memref_slice %arg3[%add3A_40, %dma_start3A_57] : memref<1344x128xi32, #tpu.memory_space<hbm>> -> memref<32x128xi32, #tpu.memory_space<hbm>>
        %dma_start3A_59 = arith.constant 0 : i32
        %dma_start3A_60 = arith.constant 0 : i32
        %dma_start3A_61 = tpu.memref_slice %arg9[%dma_start3A_59, %dma_start3A_60] : memref<40x128xi32, #tpu.memory_space<vmem>> -> memref<32x128xi32, #tpu.memory_space<vmem>>
        %dma_start3A_62 = arith.constant 0 : i32
        %dma_start3A_63 = tpu.memref_slice %arg3[%add3A_40, %dma_start3A_62] : memref<1344x128xi32, #tpu.memory_space<hbm>> -> memref<32x128xi32, #tpu.memory_space<hbm>>
        tpu.enqueue_dma source(%dma_start3A_63 : memref<32x128xi32, #tpu.memory_space<hbm>>) target(%dma_start3A_61 : memref<32x128xi32, #tpu.memory_space<vmem>>) target_semaphore(%run_scoped3A : memref<!tpu.dma_semaphore, #tpu.memory_space<semaphore_mem>>)
        %dma_wait3A = arith.constant 0 : i32
        %dma_wait3A_64 = arith.constant 0 : i32
        %dma_wait3A_65 = tpu.memref_slice %arg9[%dma_wait3A, %dma_wait3A_64] : memref<40x128xi32, #tpu.memory_space<vmem>> -> memref<32x128xi32, #tpu.memory_space<vmem>>
        %dma_wait3A_66 = arith.constant 0 : i32
        %dma_wait3A_67 = tpu.memref_slice %arg3[%add3A_40, %dma_wait3A_66] : memref<1344x128xi32, #tpu.memory_space<hbm>> -> memref<32x128xi32, #tpu.memory_space<hbm>>
        %dma_wait3A_68 = arith.constant 0 : i32
        %dma_wait3A_69 = arith.constant 0 : i32
        %dma_wait3A_70 = tpu.memref_slice %arg9[%dma_wait3A_68, %dma_wait3A_69] : memref<40x128xi32, #tpu.memory_space<vmem>> -> memref<32x128xi32, #tpu.memory_space<vmem>>
        %dma_wait3A_71 = arith.constant 0 : i32
        %dma_wait3A_72 = tpu.memref_slice %arg3[%add3A_40, %dma_wait3A_71] : memref<1344x128xi32, #tpu.memory_space<hbm>> -> memref<32x128xi32, #tpu.memory_space<hbm>>
        tpu.wait_dma2 semaphore(%run_scoped3A : memref<!tpu.dma_semaphore, #tpu.memory_space<semaphore_mem>>) src(%dma_wait3A_72 : memref<32x128xi32, #tpu.memory_space<hbm>>) dst(%dma_wait3A_70 : memref<32x128xi32, #tpu.memory_space<vmem>>)
        tpu.yield
      }) : () -> ()
      %dma_start3A_41 = arith.constant 40 : i32
      %dma_start3A_42 = arith.constant 0 : i32
      %dma_start3A_43 = tpu.memref_slice %arg8[%dma_start3A_41, %dma_start3A_42] : memref<72x128xi32, #tpu.memory_space<vmem>> -> memref<1x128xi32, #tpu.memory_space<vmem>>
      %dma_start3A_44 = tpu.memref_squeeze %dma_start3A_43 : memref<1x128xi32, #tpu.memory_space<vmem>> -> memref<128xi32, #tpu.memory_space<vmem>>
      %dma_start3A_45 = arith.constant 0 : i32
      %dma_start3A_46 = arith.constant 0 : i32
      %dma_start3A_47 = tpu.memref_slice %arg4[%dma_start3A_45, %dma_start3A_46] : memref<10240x128xf32, #tpu.memory_space<hbm>> -> memref<10240x128xf32, #tpu.memory_space<hbm>>
      tpu.enqueue_indirect_dma source(%dma_start3A_47 : memref<10240x128xf32, #tpu.memory_space<hbm>>) target(%arg10 : memref<128x128xf32, #tpu.memory_space<vmem>>) offsets(%dma_start3A_44 : memref<128xi32, #tpu.memory_space<vmem>>) semaphore(%arg12 : memref<!tpu.dma_semaphore, #tpu.memory_space<semaphore_mem>>)
      %scan3A_48 = arith.constant 0 : i32
      %scan3A_49 = arith.constant 0 : i32
      %scan3A_50 = arith.constant 16 : i32
      %scan3A_51 = arith.addi %scan3A_49, %scan3A_50 : i32
      %scan3A_52 = arith.constant 1 : i32
      scf.for %scan3A_54 = %scan3A_49 to %scan3A_51 step %scan3A_52  : i32 {
        %mul3A_55 = arith.constant 2 : i32
        %mul3A_56 = arith.muli %scan3A_54, %mul3A_55 : i32
        %add3A_57 = arith.constant 40 : i32
        %add3A_58 = arith.addi %add3A_57, %mul3A_56 : i32
        %mul3A_59 = arith.constant 2 : i32
        %mul3A_60 = arith.muli %scan3A_54, %mul3A_59 : i32
        %dma_wait3A = arith.constant 0 : i32
        %dma_wait3A_61 = tpu.memref_slice %arg8[%add3A_58, %dma_wait3A] : memref<72x128xi32, #tpu.memory_space<vmem>> -> memref<1x128xi32, #tpu.memory_space<vmem>>
        %dma_wait3A_62 = tpu.memref_squeeze %dma_wait3A_61 : memref<1x128xi32, #tpu.memory_space<vmem>> -> memref<128xi32, #tpu.memory_space<vmem>>
        %dma_wait3A_63 = arith.constant 0 : i32
        %dma_wait3A_64 = arith.constant 0 : i32
        %dma_wait3A_65 = tpu.memref_slice %arg4[%dma_wait3A_63, %dma_wait3A_64] : memref<10240x128xf32, #tpu.memory_space<hbm>> -> memref<10240x128xf32, #tpu.memory_space<hbm>>
        tpu.wait_indirect_dma semaphore(%arg12 : memref<!tpu.dma_semaphore, #tpu.memory_space<semaphore_mem>>) src(%dma_wait3A_65 : memref<10240x128xf32, #tpu.memory_space<hbm>>) dst(%arg10 : memref<128x128xf32, #tpu.memory_space<vmem>>)
        %add3A_66 = arith.constant 1 : i32
        %add3A_67 = arith.addi %add3A_58, %add3A_66 : i32
        %dma_start3A_68 = arith.constant 0 : i32
        %dma_start3A_69 = tpu.memref_slice %arg8[%add3A_67, %dma_start3A_68] : memref<72x128xi32, #tpu.memory_space<vmem>> -> memref<1x128xi32, #tpu.memory_space<vmem>>
        %dma_start3A_70 = tpu.memref_squeeze %dma_start3A_69 : memref<1x128xi32, #tpu.memory_space<vmem>> -> memref<128xi32, #tpu.memory_space<vmem>>
        %dma_start3A_71 = arith.constant 0 : i32
        %dma_start3A_72 = arith.constant 0 : i32
        %dma_start3A_73 = tpu.memref_slice %arg4[%dma_start3A_71, %dma_start3A_72] : memref<10240x128xf32, #tpu.memory_space<hbm>> -> memref<10240x128xf32, #tpu.memory_space<hbm>>
        tpu.enqueue_indirect_dma source(%dma_start3A_73 : memref<10240x128xf32, #tpu.memory_space<hbm>>) target(%arg11 : memref<128x128xf32, #tpu.memory_space<vmem>>) offsets(%dma_start3A_70 : memref<128xi32, #tpu.memory_space<vmem>>) semaphore(%arg13 : memref<!tpu.dma_semaphore, #tpu.memory_space<semaphore_mem>>)
        "tpu.region"() ({
          %run_scoped3A = tpu.sem_alloc : memref<!tpu.dma_semaphore, #tpu.memory_space<semaphore_mem>>
          %dma_start3A_88 = arith.constant 0 : i32
          %dma_start3A_89 = tpu.memref_slice %arg9[%mul3A_60, %dma_start3A_88] : memref<40x128xi32, #tpu.memory_space<vmem>> -> memref<1x128xi32, #tpu.memory_space<vmem>>
          %dma_start3A_90 = tpu.memref_squeeze %dma_start3A_89 : memref<1x128xi32, #tpu.memory_space<vmem>> -> memref<128xi32, #tpu.memory_space<vmem>>
          %dma_start3A_91 = arith.constant 0 : i32
          %dma_start3A_92 = arith.constant 0 : i32
          %dma_start3A_93 = tpu.memref_slice %arg7[%dma_start3A_91, %dma_start3A_92] : memref<10240x128xf32, #tpu.memory_space<vmem_shared>> -> memref<10240x128xf32, #tpu.memory_space<vmem_shared>>
          tpu.enqueue_indirect_dma source(%arg10 : memref<128x128xf32, #tpu.memory_space<vmem>>) target(%dma_start3A_93 : memref<10240x128xf32, #tpu.memory_space<vmem_shared>>) offsets(%dma_start3A_90 : memref<128xi32, #tpu.memory_space<vmem>>) semaphore(%run_scoped3A : memref<!tpu.dma_semaphore, #tpu.memory_space<semaphore_mem>>) {add = true}
          %dma_wait3A_94 = arith.constant 0 : i32
          %dma_wait3A_95 = tpu.memref_slice %arg9[%mul3A_60, %dma_wait3A_94] : memref<40x128xi32, #tpu.memory_space<vmem>> -> memref<1x128xi32, #tpu.memory_space<vmem>>
          %dma_wait3A_96 = tpu.memref_squeeze %dma_wait3A_95 : memref<1x128xi32, #tpu.memory_space<vmem>> -> memref<128xi32, #tpu.memory_space<vmem>>
          %dma_wait3A_97 = arith.constant 0 : i32
          %dma_wait3A_98 = arith.constant 0 : i32
          %dma_wait3A_99 = tpu.memref_slice %arg7[%dma_wait3A_97, %dma_wait3A_98] : memref<10240x128xf32, #tpu.memory_space<vmem_shared>> -> memref<10240x128xf32, #tpu.memory_space<vmem_shared>>
          tpu.wait_indirect_dma semaphore(%run_scoped3A : memref<!tpu.dma_semaphore, #tpu.memory_space<semaphore_mem>>) src(%arg10 : memref<128x128xf32, #tpu.memory_space<vmem>>) dst(%dma_wait3A_99 : memref<10240x128xf32, #tpu.memory_space<vmem_shared>>)
          tpu.yield
        }) : () -> ()
        %add3A_74 = arith.constant 1 : i32
        %add3A_75 = arith.addi %add3A_58, %add3A_74 : i32
        %dma_wait3A_76 = arith.constant 0 : i32
        %dma_wait3A_77 = tpu.memref_slice %arg8[%add3A_75, %dma_wait3A_76] : memref<72x128xi32, #tpu.memory_space<vmem>> -> memref<1x128xi32, #tpu.memory_space<vmem>>
        %dma_wait3A_78 = tpu.memref_squeeze %dma_wait3A_77 : memref<1x128xi32, #tpu.memory_space<vmem>> -> memref<128xi32, #tpu.memory_space<vmem>>
        %dma_wait3A_79 = arith.constant 0 : i32
        %dma_wait3A_80 = arith.constant 0 : i32
        %dma_wait3A_81 = tpu.memref_slice %arg4[%dma_wait3A_79, %dma_wait3A_80] : memref<10240x128xf32, #tpu.memory_space<hbm>> -> memref<10240x128xf32, #tpu.memory_space<hbm>>
        tpu.wait_indirect_dma semaphore(%arg13 : memref<!tpu.dma_semaphore, #tpu.memory_space<semaphore_mem>>) src(%dma_wait3A_81 : memref<10240x128xf32, #tpu.memory_space<hbm>>) dst(%arg11 : memref<128x128xf32, #tpu.memory_space<vmem>>)
        %lt3A = arith.constant 15 : i32
        %lt3A_82 = arith.cmpi slt, %scan3A_54, %lt3A : i32
        %convert_element_type3A_83 = arith.extui %lt3A_82 : i1 to i32
        %cond3A_84 = arith.constant 0 : i32
        %cond3A_85 = arith.cmpi ne, %convert_element_type3A_83, %cond3A_84 : i32
        scf.if %cond3A_85 {
          %add3A_88 = arith.constant 2 : i32
          %add3A_89 = arith.addi %add3A_58, %add3A_88 : i32
          %dma_start3A_90 = arith.constant 0 : i32
          %dma_start3A_91 = tpu.memref_slice %arg8[%add3A_89, %dma_start3A_90] : memref<72x128xi32, #tpu.memory_space<vmem>> -> memref<1x128xi32, #tpu.memory_space<vmem>>
          %dma_start3A_92 = tpu.memref_squeeze %dma_start3A_91 : memref<1x128xi32, #tpu.memory_space<vmem>> -> memref<128xi32, #tpu.memory_space<vmem>>
          %dma_start3A_93 = arith.constant 0 : i32
          %dma_start3A_94 = arith.constant 0 : i32
          %dma_start3A_95 = tpu.memref_slice %arg4[%dma_start3A_93, %dma_start3A_94] : memref<10240x128xf32, #tpu.memory_space<hbm>> -> memref<10240x128xf32, #tpu.memory_space<hbm>>
          tpu.enqueue_indirect_dma source(%dma_start3A_95 : memref<10240x128xf32, #tpu.memory_space<hbm>>) target(%arg10 : memref<128x128xf32, #tpu.memory_space<vmem>>) offsets(%dma_start3A_92 : memref<128xi32, #tpu.memory_space<vmem>>) semaphore(%arg12 : memref<!tpu.dma_semaphore, #tpu.memory_space<semaphore_mem>>)
        } else {
        }
        %add3A_86 = arith.constant 1 : i32
        %add3A_87 = arith.addi %mul3A_60, %add3A_86 : i32
        "tpu.region"() ({
          %run_scoped3A = tpu.sem_alloc : memref<!tpu.dma_semaphore, #tpu.memory_space<semaphore_mem>>
          %dma_start3A_88 = arith.constant 0 : i32
          %dma_start3A_89 = tpu.memref_slice %arg9[%add3A_87, %dma_start3A_88] : memref<40x128xi32, #tpu.memory_space<vmem>> -> memref<1x128xi32, #tpu.memory_space<vmem>>
          %dma_start3A_90 = tpu.memref_squeeze %dma_start3A_89 : memref<1x128xi32, #tpu.memory_space<vmem>> -> memref<128xi32, #tpu.memory_space<vmem>>
          %dma_start3A_91 = arith.constant 0 : i32
          %dma_start3A_92 = arith.constant 0 : i32
          %dma_start3A_93 = tpu.memref_slice %arg7[%dma_start3A_91, %dma_start3A_92] : memref<10240x128xf32, #tpu.memory_space<vmem_shared>> -> memref<10240x128xf32, #tpu.memory_space<vmem_shared>>
          tpu.enqueue_indirect_dma source(%arg11 : memref<128x128xf32, #tpu.memory_space<vmem>>) target(%dma_start3A_93 : memref<10240x128xf32, #tpu.memory_space<vmem_shared>>) offsets(%dma_start3A_90 : memref<128xi32, #tpu.memory_space<vmem>>) semaphore(%run_scoped3A : memref<!tpu.dma_semaphore, #tpu.memory_space<semaphore_mem>>) {add = true}
          %dma_wait3A_94 = arith.constant 0 : i32
          %dma_wait3A_95 = tpu.memref_slice %arg9[%add3A_87, %dma_wait3A_94] : memref<40x128xi32, #tpu.memory_space<vmem>> -> memref<1x128xi32, #tpu.memory_space<vmem>>
          %dma_wait3A_96 = tpu.memref_squeeze %dma_wait3A_95 : memref<1x128xi32, #tpu.memory_space<vmem>> -> memref<128xi32, #tpu.memory_space<vmem>>
          %dma_wait3A_97 = arith.constant 0 : i32
          %dma_wait3A_98 = arith.constant 0 : i32
          %dma_wait3A_99 = tpu.memref_slice %arg7[%dma_wait3A_97, %dma_wait3A_98] : memref<10240x128xf32, #tpu.memory_space<vmem_shared>> -> memref<10240x128xf32, #tpu.memory_space<vmem_shared>>
          tpu.wait_indirect_dma semaphore(%run_scoped3A : memref<!tpu.dma_semaphore, #tpu.memory_space<semaphore_mem>>) src(%arg11 : memref<128x128xf32, #tpu.memory_space<vmem>>) dst(%dma_wait3A_99 : memref<10240x128xf32, #tpu.memory_space<vmem_shared>>)
          tpu.yield
        }) : () -> ()
      }
      %scan3A_53 = arith.constant 16 : i32
    } else {
    }
    %eq3A_20 = arith.constant 1 : i32
    %eq3A_21 = arith.cmpi eq, %arg0, %eq3A_20 : i32
    %convert_element_type3A_22 = arith.extui %eq3A_21 : i1 to i32
    %cond3A_23 = arith.constant 0 : i32
    %cond3A_24 = arith.cmpi ne, %convert_element_type3A_22, %cond3A_23 : i32
    scf.if %cond3A_24 {
      %add3A_26 = arith.constant 0 : i32
      %add3A_27 = arith.addi %select_n3A, %add3A_26 : i32
      "tpu.region"() ({
        %run_scoped3A = tpu.sem_alloc : memref<!tpu.dma_semaphore, #tpu.memory_space<semaphore_mem>>
        %dma_start3A_39 = arith.constant 0 : i32
        %dma_start3A_40 = arith.constant 0 : i32
        %dma_start3A_41 = tpu.memref_slice %arg9[%dma_start3A_39, %dma_start3A_40] : memref<40x128xi32, #tpu.memory_space<vmem>> -> memref<8x128xi32, #tpu.memory_space<vmem>>
        %dma_start3A_42 = arith.constant 0 : i32
        %dma_start3A_43 = tpu.memref_slice %arg3[%add3A_27, %dma_start3A_42] : memref<1344x128xi32, #tpu.memory_space<hbm>> -> memref<8x128xi32, #tpu.memory_space<hbm>>
        %dma_start3A_44 = arith.constant 0 : i32
        %dma_start3A_45 = arith.constant 0 : i32
        %dma_start3A_46 = tpu.memref_slice %arg9[%dma_start3A_44, %dma_start3A_45] : memref<40x128xi32, #tpu.memory_space<vmem>> -> memref<8x128xi32, #tpu.memory_space<vmem>>
        %dma_start3A_47 = arith.constant 0 : i32
        %dma_start3A_48 = tpu.memref_slice %arg3[%add3A_27, %dma_start3A_47] : memref<1344x128xi32, #tpu.memory_space<hbm>> -> memref<8x128xi32, #tpu.memory_space<hbm>>
        tpu.enqueue_dma source(%dma_start3A_48 : memref<8x128xi32, #tpu.memory_space<hbm>>) target(%dma_start3A_46 : memref<8x128xi32, #tpu.memory_space<vmem>>) target_semaphore(%run_scoped3A : memref<!tpu.dma_semaphore, #tpu.memory_space<semaphore_mem>>)
        %dma_wait3A = arith.constant 0 : i32
        %dma_wait3A_49 = arith.constant 0 : i32
        %dma_wait3A_50 = tpu.memref_slice %arg9[%dma_wait3A, %dma_wait3A_49] : memref<40x128xi32, #tpu.memory_space<vmem>> -> memref<8x128xi32, #tpu.memory_space<vmem>>
        %dma_wait3A_51 = arith.constant 0 : i32
        %dma_wait3A_52 = tpu.memref_slice %arg3[%add3A_27, %dma_wait3A_51] : memref<1344x128xi32, #tpu.memory_space<hbm>> -> memref<8x128xi32, #tpu.memory_space<hbm>>
        %dma_wait3A_53 = arith.constant 0 : i32
        %dma_wait3A_54 = arith.constant 0 : i32
        %dma_wait3A_55 = tpu.memref_slice %arg9[%dma_wait3A_53, %dma_wait3A_54] : memref<40x128xi32, #tpu.memory_space<vmem>> -> memref<8x128xi32, #tpu.memory_space<vmem>>
        %dma_wait3A_56 = arith.constant 0 : i32
        %dma_wait3A_57 = tpu.memref_slice %arg3[%add3A_27, %dma_wait3A_56] : memref<1344x128xi32, #tpu.memory_space<hbm>> -> memref<8x128xi32, #tpu.memory_space<hbm>>
        tpu.wait_dma2 semaphore(%run_scoped3A : memref<!tpu.dma_semaphore, #tpu.memory_space<semaphore_mem>>) src(%dma_wait3A_57 : memref<8x128xi32, #tpu.memory_space<hbm>>) dst(%dma_wait3A_55 : memref<8x128xi32, #tpu.memory_space<vmem>>)
        tpu.yield
      }) : () -> ()
      %dma_start3A = arith.constant 0 : i32
      %dma_start3A_28 = arith.constant 0 : i32
      %dma_start3A_29 = tpu.memref_slice %arg8[%dma_start3A, %dma_start3A_28] : memref<72x128xi32, #tpu.memory_space<vmem>> -> memref<1x128xi32, #tpu.memory_space<vmem>>
      %dma_start3A_30 = tpu.memref_squeeze %dma_start3A_29 : memref<1x128xi32, #tpu.memory_space<vmem>> -> memref<128xi32, #tpu.memory_space<vmem>>
      %dma_start3A_31 = arith.constant 0 : i32
      %dma_start3A_32 = arith.constant 0 : i32
      %dma_start3A_33 = tpu.memref_slice %arg4[%dma_start3A_31, %dma_start3A_32] : memref<10240x128xf32, #tpu.memory_space<hbm>> -> memref<10240x128xf32, #tpu.memory_space<hbm>>
      tpu.enqueue_indirect_dma source(%dma_start3A_33 : memref<10240x128xf32, #tpu.memory_space<hbm>>) target(%arg10 : memref<128x128xf32, #tpu.memory_space<vmem>>) offsets(%dma_start3A_30 : memref<128xi32, #tpu.memory_space<vmem>>) semaphore(%arg12 : memref<!tpu.dma_semaphore, #tpu.memory_space<semaphore_mem>>)
      %scan3A = arith.constant 0 : i32
      %scan3A_34 = arith.constant 0 : i32
      %scan3A_35 = arith.constant 4 : i32
      %scan3A_36 = arith.addi %scan3A_34, %scan3A_35 : i32
      %scan3A_37 = arith.constant 1 : i32
      scf.for %scan3A_39 = %scan3A_34 to %scan3A_36 step %scan3A_37  : i32 {
        %mul3A_40 = arith.constant 2 : i32
        %mul3A_41 = arith.muli %scan3A_39, %mul3A_40 : i32
        %add3A_42 = arith.constant 0 : i32
        %add3A_43 = arith.addi %add3A_42, %mul3A_41 : i32
        %mul3A_44 = arith.constant 2 : i32
        %mul3A_45 = arith.muli %scan3A_39, %mul3A_44 : i32
        %dma_wait3A = arith.constant 0 : i32
        %dma_wait3A_46 = tpu.memref_slice %arg8[%add3A_43, %dma_wait3A] : memref<72x128xi32, #tpu.memory_space<vmem>> -> memref<1x128xi32, #tpu.memory_space<vmem>>
        %dma_wait3A_47 = tpu.memref_squeeze %dma_wait3A_46 : memref<1x128xi32, #tpu.memory_space<vmem>> -> memref<128xi32, #tpu.memory_space<vmem>>
        %dma_wait3A_48 = arith.constant 0 : i32
        %dma_wait3A_49 = arith.constant 0 : i32
        %dma_wait3A_50 = tpu.memref_slice %arg4[%dma_wait3A_48, %dma_wait3A_49] : memref<10240x128xf32, #tpu.memory_space<hbm>> -> memref<10240x128xf32, #tpu.memory_space<hbm>>
        tpu.wait_indirect_dma semaphore(%arg12 : memref<!tpu.dma_semaphore, #tpu.memory_space<semaphore_mem>>) src(%dma_wait3A_50 : memref<10240x128xf32, #tpu.memory_space<hbm>>) dst(%arg10 : memref<128x128xf32, #tpu.memory_space<vmem>>)
        %add3A_51 = arith.constant 1 : i32
        %add3A_52 = arith.addi %add3A_43, %add3A_51 : i32
        %dma_start3A_53 = arith.constant 0 : i32
        %dma_start3A_54 = tpu.memref_slice %arg8[%add3A_52, %dma_start3A_53] : memref<72x128xi32, #tpu.memory_space<vmem>> -> memref<1x128xi32, #tpu.memory_space<vmem>>
        %dma_start3A_55 = tpu.memref_squeeze %dma_start3A_54 : memref<1x128xi32, #tpu.memory_space<vmem>> -> memref<128xi32, #tpu.memory_space<vmem>>
        %dma_start3A_56 = arith.constant 0 : i32
        %dma_start3A_57 = arith.constant 0 : i32
        %dma_start3A_58 = tpu.memref_slice %arg4[%dma_start3A_56, %dma_start3A_57] : memref<10240x128xf32, #tpu.memory_space<hbm>> -> memref<10240x128xf32, #tpu.memory_space<hbm>>
        tpu.enqueue_indirect_dma source(%dma_start3A_58 : memref<10240x128xf32, #tpu.memory_space<hbm>>) target(%arg11 : memref<128x128xf32, #tpu.memory_space<vmem>>) offsets(%dma_start3A_55 : memref<128xi32, #tpu.memory_space<vmem>>) semaphore(%arg13 : memref<!tpu.dma_semaphore, #tpu.memory_space<semaphore_mem>>)
        "tpu.region"() ({
          %run_scoped3A = tpu.sem_alloc : memref<!tpu.dma_semaphore, #tpu.memory_space<semaphore_mem>>
          %dma_start3A_73 = arith.constant 0 : i32
          %dma_start3A_74 = tpu.memref_slice %arg9[%mul3A_45, %dma_start3A_73] : memref<40x128xi32, #tpu.memory_space<vmem>> -> memref<1x128xi32, #tpu.memory_space<vmem>>
          %dma_start3A_75 = tpu.memref_squeeze %dma_start3A_74 : memref<1x128xi32, #tpu.memory_space<vmem>> -> memref<128xi32, #tpu.memory_space<vmem>>
          %dma_start3A_76 = arith.constant 0 : i32
          %dma_start3A_77 = arith.constant 0 : i32
          %dma_start3A_78 = tpu.memref_slice %arg7[%dma_start3A_76, %dma_start3A_77] : memref<10240x128xf32, #tpu.memory_space<vmem_shared>> -> memref<10240x128xf32, #tpu.memory_space<vmem_shared>>
          tpu.enqueue_indirect_dma source(%arg10 : memref<128x128xf32, #tpu.memory_space<vmem>>) target(%dma_start3A_78 : memref<10240x128xf32, #tpu.memory_space<vmem_shared>>) offsets(%dma_start3A_75 : memref<128xi32, #tpu.memory_space<vmem>>) semaphore(%run_scoped3A : memref<!tpu.dma_semaphore, #tpu.memory_space<semaphore_mem>>) {add = true}
          %dma_wait3A_79 = arith.constant 0 : i32
          %dma_wait3A_80 = tpu.memref_slice %arg9[%mul3A_45, %dma_wait3A_79] : memref<40x128xi32, #tpu.memory_space<vmem>> -> memref<1x128xi32, #tpu.memory_space<vmem>>
          %dma_wait3A_81 = tpu.memref_squeeze %dma_wait3A_80 : memref<1x128xi32, #tpu.memory_space<vmem>> -> memref<128xi32, #tpu.memory_space<vmem>>
          %dma_wait3A_82 = arith.constant 0 : i32
          %dma_wait3A_83 = arith.constant 0 : i32
          %dma_wait3A_84 = tpu.memref_slice %arg7[%dma_wait3A_82, %dma_wait3A_83] : memref<10240x128xf32, #tpu.memory_space<vmem_shared>> -> memref<10240x128xf32, #tpu.memory_space<vmem_shared>>
          tpu.wait_indirect_dma semaphore(%run_scoped3A : memref<!tpu.dma_semaphore, #tpu.memory_space<semaphore_mem>>) src(%arg10 : memref<128x128xf32, #tpu.memory_space<vmem>>) dst(%dma_wait3A_84 : memref<10240x128xf32, #tpu.memory_space<vmem_shared>>)
          tpu.yield
        }) : () -> ()
        %add3A_59 = arith.constant 1 : i32
        %add3A_60 = arith.addi %add3A_43, %add3A_59 : i32
        %dma_wait3A_61 = arith.constant 0 : i32
        %dma_wait3A_62 = tpu.memref_slice %arg8[%add3A_60, %dma_wait3A_61] : memref<72x128xi32, #tpu.memory_space<vmem>> -> memref<1x128xi32, #tpu.memory_space<vmem>>
        %dma_wait3A_63 = tpu.memref_squeeze %dma_wait3A_62 : memref<1x128xi32, #tpu.memory_space<vmem>> -> memref<128xi32, #tpu.memory_space<vmem>>
        %dma_wait3A_64 = arith.constant 0 : i32
        %dma_wait3A_65 = arith.constant 0 : i32
        %dma_wait3A_66 = tpu.memref_slice %arg4[%dma_wait3A_64, %dma_wait3A_65] : memref<10240x128xf32, #tpu.memory_space<hbm>> -> memref<10240x128xf32, #tpu.memory_space<hbm>>
        tpu.wait_indirect_dma semaphore(%arg13 : memref<!tpu.dma_semaphore, #tpu.memory_space<semaphore_mem>>) src(%dma_wait3A_66 : memref<10240x128xf32, #tpu.memory_space<hbm>>) dst(%arg11 : memref<128x128xf32, #tpu.memory_space<vmem>>)
        %lt3A = arith.constant 3 : i32
        %lt3A_67 = arith.cmpi slt, %scan3A_39, %lt3A : i32
        %convert_element_type3A_68 = arith.extui %lt3A_67 : i1 to i32
        %cond3A_69 = arith.constant 0 : i32
        %cond3A_70 = arith.cmpi ne, %convert_element_type3A_68, %cond3A_69 : i32
        scf.if %cond3A_70 {
          %add3A_73 = arith.constant 2 : i32
          %add3A_74 = arith.addi %add3A_43, %add3A_73 : i32
          %dma_start3A_75 = arith.constant 0 : i32
          %dma_start3A_76 = tpu.memref_slice %arg8[%add3A_74, %dma_start3A_75] : memref<72x128xi32, #tpu.memory_space<vmem>> -> memref<1x128xi32, #tpu.memory_space<vmem>>
          %dma_start3A_77 = tpu.memref_squeeze %dma_start3A_76 : memref<1x128xi32, #tpu.memory_space<vmem>> -> memref<128xi32, #tpu.memory_space<vmem>>
          %dma_start3A_78 = arith.constant 0 : i32
          %dma_start3A_79 = arith.constant 0 : i32
          %dma_start3A_80 = tpu.memref_slice %arg4[%dma_start3A_78, %dma_start3A_79] : memref<10240x128xf32, #tpu.memory_space<hbm>> -> memref<10240x128xf32, #tpu.memory_space<hbm>>
          tpu.enqueue_indirect_dma source(%dma_start3A_80 : memref<10240x128xf32, #tpu.memory_space<hbm>>) target(%arg10 : memref<128x128xf32, #tpu.memory_space<vmem>>) offsets(%dma_start3A_77 : memref<128xi32, #tpu.memory_space<vmem>>) semaphore(%arg12 : memref<!tpu.dma_semaphore, #tpu.memory_space<semaphore_mem>>)
        } else {
        }
        %add3A_71 = arith.constant 1 : i32
        %add3A_72 = arith.addi %mul3A_45, %add3A_71 : i32
        "tpu.region"() ({
          %run_scoped3A = tpu.sem_alloc : memref<!tpu.dma_semaphore, #tpu.memory_space<semaphore_mem>>
          %dma_start3A_73 = arith.constant 0 : i32
          %dma_start3A_74 = tpu.memref_slice %arg9[%add3A_72, %dma_start3A_73] : memref<40x128xi32, #tpu.memory_space<vmem>> -> memref<1x128xi32, #tpu.memory_space<vmem>>
          %dma_start3A_75 = tpu.memref_squeeze %dma_start3A_74 : memref<1x128xi32, #tpu.memory_space<vmem>> -> memref<128xi32, #tpu.memory_space<vmem>>
          %dma_start3A_76 = arith.constant 0 : i32
          %dma_start3A_77 = arith.constant 0 : i32
          %dma_start3A_78 = tpu.memref_slice %arg7[%dma_start3A_76, %dma_start3A_77] : memref<10240x128xf32, #tpu.memory_space<vmem_shared>> -> memref<10240x128xf32, #tpu.memory_space<vmem_shared>>
          tpu.enqueue_indirect_dma source(%arg11 : memref<128x128xf32, #tpu.memory_space<vmem>>) target(%dma_start3A_78 : memref<10240x128xf32, #tpu.memory_space<vmem_shared>>) offsets(%dma_start3A_75 : memref<128xi32, #tpu.memory_space<vmem>>) semaphore(%run_scoped3A : memref<!tpu.dma_semaphore, #tpu.memory_space<semaphore_mem>>) {add = true}
          %dma_wait3A_79 = arith.constant 0 : i32
          %dma_wait3A_80 = tpu.memref_slice %arg9[%add3A_72, %dma_wait3A_79] : memref<40x128xi32, #tpu.memory_space<vmem>> -> memref<1x128xi32, #tpu.memory_space<vmem>>
          %dma_wait3A_81 = tpu.memref_squeeze %dma_wait3A_80 : memref<1x128xi32, #tpu.memory_space<vmem>> -> memref<128xi32, #tpu.memory_space<vmem>>
          %dma_wait3A_82 = arith.constant 0 : i32
          %dma_wait3A_83 = arith.constant 0 : i32
          %dma_wait3A_84 = tpu.memref_slice %arg7[%dma_wait3A_82, %dma_wait3A_83] : memref<10240x128xf32, #tpu.memory_space<vmem_shared>> -> memref<10240x128xf32, #tpu.memory_space<vmem_shared>>
          tpu.wait_indirect_dma semaphore(%run_scoped3A : memref<!tpu.dma_semaphore, #tpu.memory_space<semaphore_mem>>) src(%arg11 : memref<128x128xf32, #tpu.memory_space<vmem>>) dst(%dma_wait3A_84 : memref<10240x128xf32, #tpu.memory_space<vmem_shared>>)
          tpu.yield
        }) : () -> ()
      }
      %scan3A_38 = arith.constant 4 : i32
    } else {
    }
    %barrier3A_25 = arith.constant 0 : index
    tpu.barrier barrier_id(%barrier3A_25)
    "tpu.region"() ({
      %run_scoped3A = tpu.sem_alloc : memref<!tpu.dma_semaphore, #tpu.memory_space<semaphore_mem>>
      %dma_start3A = arith.constant 0 : i32
      %dma_start3A_26 = tpu.memref_slice %arg6[%arg0, %mul3A_0, %dma_start3A] : memref<2x10240x128xf32, #tpu.memory_space<hbm>> -> memref<1x640x128xf32, #tpu.memory_space<hbm>>
      %dma_start3A_27 = tpu.memref_squeeze %dma_start3A_26 : memref<1x640x128xf32, #tpu.memory_space<hbm>> -> memref<640x128xf32, #tpu.memory_space<hbm>>
      %dma_start3A_28 = arith.constant 0 : i32
      %dma_start3A_29 = tpu.memref_slice %arg7[%mul3A_0, %dma_start3A_28] : memref<10240x128xf32, #tpu.memory_space<vmem_shared>> -> memref<640x128xf32, #tpu.memory_space<vmem_shared>>
      tpu.enqueue_dma source(%dma_start3A_29 : memref<640x128xf32, #tpu.memory_space<vmem_shared>>) target(%dma_start3A_27 : memref<640x128xf32, #tpu.memory_space<hbm>>) target_semaphore(%run_scoped3A : memref<!tpu.dma_semaphore, #tpu.memory_space<semaphore_mem>>)
      %dma_wait3A = arith.constant 0 : i32
      %dma_wait3A_30 = tpu.memref_slice %arg6[%arg0, %mul3A_0, %dma_wait3A] : memref<2x10240x128xf32, #tpu.memory_space<hbm>> -> memref<1x640x128xf32, #tpu.memory_space<hbm>>
      %dma_wait3A_31 = tpu.memref_squeeze %dma_wait3A_30 : memref<1x640x128xf32, #tpu.memory_space<hbm>> -> memref<640x128xf32, #tpu.memory_space<hbm>>
      %dma_wait3A_32 = arith.constant 0 : i32
      %dma_wait3A_33 = tpu.memref_slice %arg7[%mul3A_0, %dma_wait3A_32] : memref<10240x128xf32, #tpu.memory_space<vmem_shared>> -> memref<640x128xf32, #tpu.memory_space<vmem_shared>>
      tpu.wait_dma2 semaphore(%run_scoped3A : memref<!tpu.dma_semaphore, #tpu.memory_space<semaphore_mem>>) src(%dma_wait3A_33 : memref<640x128xf32, #tpu.memory_space<vmem_shared>>) dst(%dma_wait3A_31 : memref<640x128xf32, #tpu.memory_space<hbm>>)
      tpu.yield
    }) : () -> ()
    return
  }
}

module attributes {stable_mosaic.version = 14 : i64} {
  func.func @_prep_body(%arg0: i32, %arg1: memref<1024x256xf32, #tpu.memory_space<vmem>>, %arg2: memref<1x256xf32, #tpu.memory_space<vmem>>, %arg3: memref<1x256xf32, #tpu.memory_space<vmem>>, %arg4: memref<1x256xf32, #tpu.memory_space<vmem>>, %arg5: memref<1x256xf32, #tpu.memory_space<vmem>>, %arg6: memref<256x128xf32, #tpu.memory_space<vmem>>, %arg7: memref<2x1024xf32, #tpu.memory_space<vmem>>, %arg8: memref<1024x128xf32, #tpu.memory_space<vmem>>) attributes {dimension_semantics = [#tpu.dimension_semantics<arbitrary>], iteration_bounds = array<i64: 10>, scalar_prefetch = 0 : i64, scratch_operands = 0 : i64, tpu.core_type = #tpu.core_type<tc>, window_params = [{transform_indices = @transform_0, window_bounds = array<i64: 1024, 256>}, {pipeline_mode = #tpu.pipeline_mode<synchronous>, transform_indices = @transform_1, window_bounds = array<i64: 1, 256>}, {pipeline_mode = #tpu.pipeline_mode<synchronous>, transform_indices = @transform_2, window_bounds = array<i64: 1, 256>}, {pipeline_mode = #tpu.pipeline_mode<synchronous>, transform_indices = @transform_3, window_bounds = array<i64: 1, 256>}, {pipeline_mode = #tpu.pipeline_mode<synchronous>, transform_indices = @transform_4, window_bounds = array<i64: 1, 256>}, {pipeline_mode = #tpu.pipeline_mode<synchronous>, transform_indices = @transform_5, window_bounds = array<i64: 256, 128>}, {transform_indices = @transform_6, window_bounds = array<i64: 2, 1024>}, {transform_indices = @transform_7, window_bounds = array<i64: 1024, 128>}]} {
    %get3A = arith.constant 0 : index
    %get3A_0 = arith.constant 0 : index
    %get3A_1 = vector.load %arg1[%get3A, %get3A_0] : memref<1024x256xf32, #tpu.memory_space<vmem>>, vector<1024x256xf32>
    %get3A_2 = arith.constant 0 : index
    %get3A_3 = arith.constant 0 : index
    %get3A_4 = vector.load %arg4[%get3A_2, %get3A_3] : memref<1x256xf32, #tpu.memory_space<vmem>>, vector<1x256xf32>
    %sub3A = vector.broadcast %get3A_4 : vector<1x256xf32> to vector<1024x256xf32>
    %sub3A_5 = arith.subf %get3A_1, %sub3A : vector<1024x256xf32>
    %get3A_6 = arith.constant 0 : index
    %get3A_7 = arith.constant 0 : index
    %get3A_8 = vector.load %arg5[%get3A_6, %get3A_7] : memref<1x256xf32, #tpu.memory_space<vmem>>, vector<1x256xf32>
    %add3A = arith.constant 9.99999974E-6 : f32
    %add3A_9 = vector.broadcast %add3A : f32 to vector<1x256xf32>
    %add3A_10 = arith.addf %get3A_8, %add3A_9 : vector<1x256xf32>
    %rsqrt3A = math.rsqrt %add3A_10 : vector<1x256xf32>
    %mul3A = vector.broadcast %rsqrt3A : vector<1x256xf32> to vector<1024x256xf32>
    %mul3A_11 = arith.mulf %sub3A_5, %mul3A : vector<1024x256xf32>
    %get3A_12 = arith.constant 0 : index
    %get3A_13 = arith.constant 0 : index
    %get3A_14 = vector.load %arg2[%get3A_12, %get3A_13] : memref<1x256xf32, #tpu.memory_space<vmem>>, vector<1x256xf32>
    %mul3A_15 = vector.broadcast %get3A_14 : vector<1x256xf32> to vector<1024x256xf32>
    %mul3A_16 = arith.mulf %mul3A_11, %mul3A_15 : vector<1024x256xf32>
    %get3A_17 = arith.constant 0 : index
    %get3A_18 = arith.constant 0 : index
    %get3A_19 = vector.load %arg3[%get3A_17, %get3A_18] : memref<1x256xf32, #tpu.memory_space<vmem>>, vector<1x256xf32>
    %add3A_20 = vector.broadcast %get3A_19 : vector<1x256xf32> to vector<1024x256xf32>
    %add3A_21 = arith.addf %mul3A_16, %add3A_20 : vector<1024x256xf32>
    %get3A_22 = arith.constant 0 : index
    %get3A_23 = arith.constant 0 : index
    %get3A_24 = vector.load %arg6[%get3A_22, %get3A_23] : memref<256x128xf32, #tpu.memory_space<vmem>>, vector<256x128xf32>
    %dot_general3A = arith.constant dense<0.000000e+00> : vector<1024x128xf32>
    %dot_general3A_25 = tpu.matmul %add3A_21, %get3A_24, %dot_general3A {dimension_numbers = #tpu.dot_dimension_numbers<[1], [0], [0], [1], [0, 0, 1, 1], [], []>, transpose_lhs_hint = false} : vector<1024x256xf32>, vector<256x128xf32>, vector<1024x128xf32> -> vector<1024x128xf32>
    %get3A_26 = arith.constant 0 : index
    %get3A_27 = arith.constant 0 : index
    %get3A_28 = vector.load %arg7[%get3A_26, %get3A_27] : memref<2x1024xf32, #tpu.memory_space<vmem>>, vector<1x1024xf32>
    %get3A_29 = vector.shape_cast %get3A_28 : vector<1x1024xf32> to vector<1024xf32>
    %get3A_30 = arith.constant 1 : index
    %get3A_31 = arith.constant 0 : index
    %get3A_32 = vector.load %arg7[%get3A_30, %get3A_31] : memref<2x1024xf32, #tpu.memory_space<vmem>>, vector<1x1024xf32>
    %get3A_33 = vector.shape_cast %get3A_32 : vector<1x1024xf32> to vector<1024xf32>
    %add3A_34 = arith.addf %get3A_29, %get3A_33 : vector<1024xf32>
    %add3A_35 = arith.constant 1.000000e+00 : f32
    %add3A_36 = vector.broadcast %add3A_35 : f32 to vector<1024xf32>
    %add3A_37 = arith.addf %add3A_34, %add3A_36 : vector<1024xf32>
    %rsqrt3A_38 = math.rsqrt %add3A_37 : vector<1024xf32>
    %broadcast_in_dim3A = vector.shape_cast %rsqrt3A_38 : vector<1024xf32> to vector<1024x1xf32>
    %mul3A_39 = vector.broadcast %broadcast_in_dim3A : vector<1024x1xf32> to vector<1024x128xf32>
    %mul3A_40 = arith.mulf %dot_general3A_25, %mul3A_39 : vector<1024x128xf32>
    %swap3A = arith.constant 0 : index
    %swap3A_41 = arith.constant 0 : index
    %swap3A_42 = vector.load %arg8[%swap3A, %swap3A_41] : memref<1024x128xf32, #tpu.memory_space<vmem>>, vector<1024x128xf32>
    tpu.vector_store %arg8[%swap3A, %swap3A_41], %mul3A_40 {strides = array<i32>} : memref<1024x128xf32, #tpu.memory_space<vmem>>, vector<1024x128xf32>,
    return
  }
  func.func @transform_0(%arg0: i32) -> (i32, i32) {
    %c0_i32 = arith.constant 0 : i32
    %c0_i32_0 = arith.constant 0 : i32
    return %arg0, %c0_i32 : i32, i32
  }
  func.func @transform_1(%arg0: i32) -> (i32, i32) {
    %c0_i32 = arith.constant 0 : i32
    %c0_i32_0 = arith.constant 0 : i32
    %c0_i32_1 = arith.constant 0 : i32
    return %c0_i32, %c0_i32_0 : i32, i32
  }
  func.func @transform_2(%arg0: i32) -> (i32, i32) {
    %c0_i32 = arith.constant 0 : i32
    %c0_i32_0 = arith.constant 0 : i32
    %c0_i32_1 = arith.constant 0 : i32
    return %c0_i32, %c0_i32_0 : i32, i32
  }
  func.func @transform_3(%arg0: i32) -> (i32, i32) {
    %c0_i32 = arith.constant 0 : i32
    %c0_i32_0 = arith.constant 0 : i32
    %c0_i32_1 = arith.constant 0 : i32
    return %c0_i32, %c0_i32_0 : i32, i32
  }
  func.func @transform_4(%arg0: i32) -> (i32, i32) {
    %c0_i32 = arith.constant 0 : i32
    %c0_i32_0 = arith.constant 0 : i32
    %c0_i32_1 = arith.constant 0 : i32
    return %c0_i32, %c0_i32_0 : i32, i32
  }
  func.func @transform_5(%arg0: i32) -> (i32, i32) {
    %c0_i32 = arith.constant 0 : i32
    %c0_i32_0 = arith.constant 0 : i32
    %c0_i32_1 = arith.constant 0 : i32
    return %c0_i32, %c0_i32_0 : i32, i32
  }
  func.func @transform_6(%arg0: i32) -> (i32, i32) {
    %c0_i32 = arith.constant 0 : i32
    %c0_i32_0 = arith.constant 0 : i32
    return %c0_i32, %arg0 : i32, i32
  }
  func.func @transform_7(%arg0: i32) -> (i32, i32) {
    %c0_i32 = arith.constant 0 : i32
    %c0_i32_0 = arith.constant 0 : i32
    return %arg0, %c0_i32 : i32, i32
  }
}

module attributes {stable_mosaic.version = 14 : i64} {
  func.func @_head_body(%arg0: i32, %arg1: memref<2x1024x128xf32, #tpu.memory_space<vmem>>, %arg2: memref<2x1024xf32, #tpu.memory_space<vmem>>, %arg3: memref<1x1x1024xi32, #tpu.memory_space<vmem>>, %arg4: memref<1x128xf32, #tpu.memory_space<vmem>>, %arg5: memref<1x128xf32, #tpu.memory_space<vmem>>, %arg6: memref<1x128xf32, #tpu.memory_space<vmem>>, %arg7: memref<1x128xf32, #tpu.memory_space<vmem>>, %arg8: memref<1x128xf32, #tpu.memory_space<vmem>>, %arg9: memref<128x128xf32, #tpu.memory_space<vmem>>, %arg10: memref<1x128xf32, #tpu.memory_space<vmem>>, %arg11: memref<1x128xf32, #tpu.memory_space<vmem>>, %arg12: memref<1x128xf32, #tpu.memory_space<vmem>>, %arg13: memref<1x128xf32, #tpu.memory_space<vmem>>, %arg14: memref<1x128xf32, #tpu.memory_space<vmem>>, %arg15: memref<128x128xf32, #tpu.memory_space<vmem>>, %arg16: memref<1x128xf32, #tpu.memory_space<vmem>>, %arg17: memref<64x128xf32, #tpu.memory_space<vmem>>, %arg18: memref<64x128xf32, #tpu.memory_space<vmem>>, %arg19: memref<64x128xf32, #tpu.memory_space<vmem>>) attributes {dimension_semantics = [#tpu.dimension_semantics<arbitrary>], iteration_bounds = array<i64: 10>, scalar_prefetch = 0 : i64, scratch_operands = 2 : i64, tpu.core_type = #tpu.core_type<tc>, window_params = [{transform_indices = @transform_0, window_bounds = array<i64: 2, 1024, 128>}, {transform_indices = @transform_1, window_bounds = array<i64: 2, 1024>}, {transform_indices = @transform_2, window_bounds = array<i64: 1, 1, 1024>}, {pipeline_mode = #tpu.pipeline_mode<synchronous>, transform_indices = @transform_3, window_bounds = array<i64: 1, 128>}, {pipeline_mode = #tpu.pipeline_mode<synchronous>, transform_indices = @transform_4, window_bounds = array<i64: 1, 128>}, {pipeline_mode = #tpu.pipeline_mode<synchronous>, transform_indices = @transform_5, window_bounds = array<i64: 1, 128>}, {pipeline_mode = #tpu.pipeline_mode<synchronous>, transform_indices = @transform_6, window_bounds = array<i64: 1, 128>}, {pipeline_mode = #tpu.pipeline_mode<synchronous>, transform_indices = @transform_7, window_bounds = array<i64: 1, 128>}, {pipeline_mode = #tpu.pipeline_mode<synchronous>, transform_indices = @transform_8, window_bounds = array<i64: 128, 128>}, {pipeline_mode = #tpu.pipeline_mode<synchronous>, transform_indices = @transform_9, window_bounds = array<i64: 1, 128>}, {pipeline_mode = #tpu.pipeline_mode<synchronous>, transform_indices = @transform_10, window_bounds = array<i64: 1, 128>}, {pipeline_mode = #tpu.pipeline_mode<synchronous>, transform_indices = @transform_11, window_bounds = array<i64: 1, 128>}, {pipeline_mode = #tpu.pipeline_mode<synchronous>, transform_indices = @transform_12, window_bounds = array<i64: 1, 128>}, {pipeline_mode = #tpu.pipeline_mode<synchronous>, transform_indices = @transform_13, window_bounds = array<i64: 1, 128>}, {pipeline_mode = #tpu.pipeline_mode<synchronous>, transform_indices = @transform_14, window_bounds = array<i64: 128, 128>}, {pipeline_mode = #tpu.pipeline_mode<synchronous>, transform_indices = @transform_15, window_bounds = array<i64: 1, 128>}, {pipeline_mode = #tpu.pipeline_mode<synchronous>, transform_indices = @transform_16, window_bounds = array<i64: 64, 128>}]} {
    %eq3A = arith.constant 0 : i32
    %eq3A_0 = arith.cmpi eq, %arg0, %eq3A : i32
    %convert_element_type3A = arith.extui %eq3A_0 : i1 to i32
    %cond3A = arith.constant 0 : i32
    %cond3A_1 = arith.cmpi ne, %convert_element_type3A, %cond3A : i32
    scf.if %cond3A_1 {
      %broadcast_in_dim3A_67 = arith.constant 0.000000e+00 : f32
      %broadcast_in_dim3A_68 = vector.broadcast %broadcast_in_dim3A_67 : f32 to vector<64x128xf32>
      %swap3A_69 = arith.constant 0 : index
      %swap3A_70 = arith.constant 0 : index
      %swap3A_71 = vector.load %arg18[%swap3A_69, %swap3A_70] : memref<64x128xf32, #tpu.memory_space<vmem>>, vector<64x128xf32>
      tpu.vector_store %arg18[%swap3A_69, %swap3A_70], %broadcast_in_dim3A_68 {strides = array<i32>} : memref<64x128xf32, #tpu.memory_space<vmem>>, vector<64x128xf32>,
      %broadcast_in_dim3A_72 = arith.constant 0.000000e+00 : f32
      %broadcast_in_dim3A_73 = vector.broadcast %broadcast_in_dim3A_72 : f32 to vector<64x128xf32>
      %swap3A_74 = arith.constant 0 : index
      %swap3A_75 = arith.constant 0 : index
      %swap3A_76 = vector.load %arg19[%swap3A_74, %swap3A_75] : memref<64x128xf32, #tpu.memory_space<vmem>>, vector<64x128xf32>
      tpu.vector_store %arg19[%swap3A_74, %swap3A_75], %broadcast_in_dim3A_73 {strides = array<i32>} : memref<64x128xf32, #tpu.memory_space<vmem>>, vector<64x128xf32>,
    } else {
    }
    %get3A = arith.constant 0 : index
    %get3A_2 = arith.constant 0 : index
    %get3A_3 = vector.load %arg2[%get3A, %get3A_2] : memref<2x1024xf32, #tpu.memory_space<vmem>>, vector<1x1024xf32>
    %get3A_4 = vector.shape_cast %get3A_3 : vector<1x1024xf32> to vector<1024xf32>
    %get3A_5 = arith.constant 1 : index
    %get3A_6 = arith.constant 0 : index
    %get3A_7 = vector.load %arg2[%get3A_5, %get3A_6] : memref<2x1024xf32, #tpu.memory_space<vmem>>, vector<1x1024xf32>
    %get3A_8 = vector.shape_cast %get3A_7 : vector<1x1024xf32> to vector<1024xf32>
    %add3A = arith.addf %get3A_4, %get3A_8 : vector<1024xf32>
    %add3A_9 = arith.constant 1.000000e+00 : f32
    %add3A_10 = vector.broadcast %add3A_9 : f32 to vector<1024xf32>
    %add3A_11 = arith.addf %add3A, %add3A_10 : vector<1024xf32>
    %rsqrt3A = math.rsqrt %add3A_11 : vector<1024xf32>
    %broadcast_in_dim3A = vector.shape_cast %rsqrt3A : vector<1024xf32> to vector<1024x1xf32>
    %get3A_12 = arith.constant 0 : index
    %get3A_13 = arith.constant 0 : index
    %get3A_14 = arith.constant 0 : index
    %get3A_15 = vector.load %arg1[%get3A_12, %get3A_13, %get3A_14] : memref<2x1024x128xf32, #tpu.memory_space<vmem>>, vector<1x1024x128xf32>
    %get3A_16 = vector.shape_cast %get3A_15 : vector<1x1024x128xf32> to vector<1024x128xf32>
    %get3A_17 = arith.constant 1 : index
    %get3A_18 = arith.constant 0 : index
    %get3A_19 = arith.constant 0 : index
    %get3A_20 = vector.load %arg1[%get3A_17, %get3A_18, %get3A_19] : memref<2x1024x128xf32, #tpu.memory_space<vmem>>, vector<1x1024x128xf32>
    %get3A_21 = vector.shape_cast %get3A_20 : vector<1x1024x128xf32> to vector<1024x128xf32>
    %add3A_22 = arith.addf %get3A_16, %get3A_21 : vector<1024x128xf32>
    %mul3A = vector.broadcast %broadcast_in_dim3A : vector<1024x1xf32> to vector<1024x128xf32>
    %mul3A_23 = arith.mulf %mul3A, %add3A_22 : vector<1024x128xf32>
    %get3A_24 = arith.constant 0 : index
    %get3A_25 = arith.constant 0 : index
    %get3A_26 = vector.load %arg4[%get3A_24, %get3A_25] : memref<1x128xf32, #tpu.memory_space<vmem>>, vector<1x128xf32>
    %add3A_27 = vector.broadcast %get3A_26 : vector<1x128xf32> to vector<1024x128xf32>
    %add3A_28 = arith.addf %mul3A_23, %add3A_27 : vector<1024x128xf32>
    %gt3A = arith.constant 0.000000e+00 : f32
    %gt3A_29 = vector.broadcast %gt3A : f32 to vector<1024x128xf32>
    %gt3A_30 = arith.cmpf ogt, %add3A_28, %gt3A_29 : vector<1024x128xf32>
    %min3A = arith.constant 0.000000e+00 : f32
    %min3A_31 = vector.broadcast %min3A : f32 to vector<1024x128xf32>
    %min3A_32 = arith.minimumf %add3A_28, %min3A_31 : vector<1024x128xf32>
    %exp3A = math.exp %min3A_32 : vector<1024x128xf32>
    %sub3A = arith.constant 1.000000e+00 : f32
    %sub3A_33 = vector.broadcast %sub3A : f32 to vector<1024x128xf32>
    %sub3A_34 = arith.subf %exp3A, %sub3A_33 : vector<1024x128xf32>
    %select_n3A = arith.select %gt3A_30, %add3A_28, %sub3A_34 : vector<1024x128xi1>, vector<1024x128xf32>
    %get3A_35 = arith.constant 0 : index
    %get3A_36 = arith.constant 0 : index
    %get3A_37 = arith.constant 0 : index
    %get3A_38 = vector.load %arg3[%get3A_35, %get3A_36, %get3A_37] : memref<1x1x1024xi32, #tpu.memory_space<vmem>>, vector<1x1x1024xi32>
    %get3A_39 = vector.shape_cast %get3A_38 : vector<1x1x1024xi32> to vector<1024xi32>
    %iota3A = tpu.iota {dimensions = array<i32: 0>} : vector<64x1024xi32>
    %broadcast_in_dim3A_40 = vector.shape_cast %get3A_39 : vector<1024xi32> to vector<1x1024xi32>
    %eq3A_41 = vector.broadcast %broadcast_in_dim3A_40 : vector<1x1024xi32> to vector<64x1024xi32>
    %eq3A_42 = arith.cmpi eq, %iota3A, %eq3A_41 : vector<64x1024xi32>
    %convert_element_type3A_43 = arith.extui %eq3A_42 : vector<64x1024xi1> to vector<64x1024xi32>
    %convert_element_type3A_44 = arith.sitofp %convert_element_type3A_43 : vector<64x1024xi32> to vector<64x1024xf32>
    %get3A_45 = arith.constant 0 : index
    %get3A_46 = arith.constant 0 : index
    %get3A_47 = vector.load %arg18[%get3A_45, %get3A_46] : memref<64x128xf32, #tpu.memory_space<vmem>>, vector<64x128xf32>
    %dot_general3A = arith.constant dense<0.000000e+00> : vector<64x128xf32>
    %dot_general3A_48 = tpu.matmul %convert_element_type3A_44, %select_n3A, %dot_general3A {dimension_numbers = #tpu.dot_dimension_numbers<[1], [0], [0], [1], [0, 0, 1, 1], [], []>, transpose_lhs_hint = false} : vector<64x1024xf32>, vector<1024x128xf32>, vector<64x128xf32> -> vector<64x128xf32>
    %add3A_49 = arith.addf %get3A_47, %dot_general3A_48 : vector<64x128xf32>
    %swap3A = arith.constant 0 : index
    %swap3A_50 = arith.constant 0 : index
    %swap3A_51 = vector.load %arg18[%swap3A, %swap3A_50] : memref<64x128xf32, #tpu.memory_space<vmem>>, vector<64x128xf32>
    tpu.vector_store %arg18[%swap3A, %swap3A_50], %add3A_49 {strides = array<i32>} : memref<64x128xf32, #tpu.memory_space<vmem>>, vector<64x128xf32>,
    %get3A_52 = arith.constant 0 : index
    %get3A_53 = arith.constant 0 : index
    %get3A_54 = vector.load %arg19[%get3A_52, %get3A_53] : memref<64x128xf32, #tpu.memory_space<vmem>>, vector<64x128xf32>
    %reduce_sum3A = arith.constant dense<0.000000e+00> : vector<64xf32>
    %reduce_sum3A_55 = vector.multi_reduction <add>, %convert_element_type3A_44, %reduce_sum3A [1] : vector<64x1024xf32> to vector<64xf32>
    %broadcast_in_dim3A_56 = vector.shape_cast %reduce_sum3A_55 : vector<64xf32> to vector<64x1xf32>
    %add3A_57 = vector.broadcast %broadcast_in_dim3A_56 : vector<64x1xf32> to vector<64x128xf32>
    %add3A_58 = arith.addf %get3A_54, %add3A_57 : vector<64x128xf32>
    %swap3A_59 = arith.constant 0 : index
    %swap3A_60 = arith.constant 0 : index
    %swap3A_61 = vector.load %arg19[%swap3A_59, %swap3A_60] : memref<64x128xf32, #tpu.memory_space<vmem>>, vector<64x128xf32>
    tpu.vector_store %arg19[%swap3A_59, %swap3A_60], %add3A_58 {strides = array<i32>} : memref<64x128xf32, #tpu.memory_space<vmem>>, vector<64x128xf32>,
    %eq3A_62 = arith.constant 9 : i32
    %eq3A_63 = arith.cmpi eq, %arg0, %eq3A_62 : i32
    %convert_element_type3A_64 = arith.extui %eq3A_63 : i1 to i32
    %cond3A_65 = arith.constant 0 : i32
    %cond3A_66 = arith.cmpi ne, %convert_element_type3A_64, %cond3A_65 : i32
    scf.if %cond3A_66 {
      %get3A_67 = arith.constant 0 : index
      %get3A_68 = arith.constant 0 : index
      %get3A_69 = vector.load %arg18[%get3A_67, %get3A_68] : memref<64x128xf32, #tpu.memory_space<vmem>>, vector<64x128xf32>
      %get3A_70 = arith.constant 0 : index
      %get3A_71 = arith.constant 0 : index
      %get3A_72 = vector.load %arg19[%get3A_70, %get3A_71] : memref<64x128xf32, #tpu.memory_space<vmem>>, vector<64x128xf32>
      %max3A = arith.constant 1.000000e+00 : f32
      %max3A_73 = vector.broadcast %max3A : f32 to vector<64x128xf32>
      %max3A_74 = arith.maximumf %get3A_72, %max3A_73 : vector<64x128xf32>
      %div3A = arith.divf %get3A_69, %max3A_74 : vector<64x128xf32>
      %get3A_75 = arith.constant 0 : index
      %get3A_76 = arith.constant 0 : index
      %get3A_77 = vector.load %arg7[%get3A_75, %get3A_76] : memref<1x128xf32, #tpu.memory_space<vmem>>, vector<1x128xf32>
      %sub3A_78 = vector.broadcast %get3A_77 : vector<1x128xf32> to vector<64x128xf32>
      %sub3A_79 = arith.subf %div3A, %sub3A_78 : vector<64x128xf32>
      %get3A_80 = arith.constant 0 : index
      %get3A_81 = arith.constant 0 : index
      %get3A_82 = vector.load %arg8[%get3A_80, %get3A_81] : memref<1x128xf32, #tpu.memory_space<vmem>>, vector<1x128xf32>
      %add3A_83 = arith.constant 9.99999974E-6 : f32
      %add3A_84 = vector.broadcast %add3A_83 : f32 to vector<1x128xf32>
      %add3A_85 = arith.addf %get3A_82, %add3A_84 : vector<1x128xf32>
      %rsqrt3A_86 = math.rsqrt %add3A_85 : vector<1x128xf32>
      %mul3A_87 = vector.broadcast %rsqrt3A_86 : vector<1x128xf32> to vector<64x128xf32>
      %mul3A_88 = arith.mulf %sub3A_79, %mul3A_87 : vector<64x128xf32>
      %get3A_89 = arith.constant 0 : index
      %get3A_90 = arith.constant 0 : index
      %get3A_91 = vector.load %arg5[%get3A_89, %get3A_90] : memref<1x128xf32, #tpu.memory_space<vmem>>, vector<1x128xf32>
      %mul3A_92 = vector.broadcast %get3A_91 : vector<1x128xf32> to vector<64x128xf32>
      %mul3A_93 = arith.mulf %mul3A_88, %mul3A_92 : vector<64x128xf32>
      %get3A_94 = arith.constant 0 : index
      %get3A_95 = arith.constant 0 : index
      %get3A_96 = vector.load %arg6[%get3A_94, %get3A_95] : memref<1x128xf32, #tpu.memory_space<vmem>>, vector<1x128xf32>
      %add3A_97 = vector.broadcast %get3A_96 : vector<1x128xf32> to vector<64x128xf32>
      %add3A_98 = arith.addf %mul3A_93, %add3A_97 : vector<64x128xf32>
      %get3A_99 = arith.constant 0 : index
      %get3A_100 = arith.constant 0 : index
      %get3A_101 = vector.load %arg9[%get3A_99, %get3A_100] : memref<128x128xf32, #tpu.memory_space<vmem>>, vector<128x128xf32>
      %dot_general3A_102 = arith.constant dense<0.000000e+00> : vector<64x128xf32>
      %dot_general3A_103 = tpu.matmul %add3A_98, %get3A_101, %dot_general3A_102 {dimension_numbers = #tpu.dot_dimension_numbers<[1], [0], [0], [1], [0, 0, 1, 1], [], []>, transpose_lhs_hint = false} : vector<64x128xf32>, vector<128x128xf32>, vector<64x128xf32> -> vector<64x128xf32>
      %get3A_104 = arith.constant 0 : index
      %get3A_105 = arith.constant 0 : index
      %get3A_106 = vector.load %arg10[%get3A_104, %get3A_105] : memref<1x128xf32, #tpu.memory_space<vmem>>, vector<1x128xf32>
      %add3A_107 = vector.broadcast %get3A_106 : vector<1x128xf32> to vector<64x128xf32>
      %add3A_108 = arith.addf %dot_general3A_103, %add3A_107 : vector<64x128xf32>
      %gt3A_109 = arith.constant 0.000000e+00 : f32
      %gt3A_110 = vector.broadcast %gt3A_109 : f32 to vector<64x128xf32>
      %gt3A_111 = arith.cmpf ogt, %add3A_108, %gt3A_110 : vector<64x128xf32>
      %min3A_112 = arith.constant 0.000000e+00 : f32
      %min3A_113 = vector.broadcast %min3A_112 : f32 to vector<64x128xf32>
      %min3A_114 = arith.minimumf %add3A_108, %min3A_113 : vector<64x128xf32>
      %exp3A_115 = math.exp %min3A_114 : vector<64x128xf32>
      %sub3A_116 = arith.constant 1.000000e+00 : f32
      %sub3A_117 = vector.broadcast %sub3A_116 : f32 to vector<64x128xf32>
      %sub3A_118 = arith.subf %exp3A_115, %sub3A_117 : vector<64x128xf32>
      %select_n3A_119 = arith.select %gt3A_111, %add3A_108, %sub3A_118 : vector<64x128xi1>, vector<64x128xf32>
      %get3A_120 = arith.constant 0 : index
      %get3A_121 = arith.constant 0 : index
      %get3A_122 = vector.load %arg13[%get3A_120, %get3A_121] : memref<1x128xf32, #tpu.memory_space<vmem>>, vector<1x128xf32>
      %sub3A_123 = vector.broadcast %get3A_122 : vector<1x128xf32> to vector<64x128xf32>
      %sub3A_124 = arith.subf %select_n3A_119, %sub3A_123 : vector<64x128xf32>
      %get3A_125 = arith.constant 0 : index
      %get3A_126 = arith.constant 0 : index
      %get3A_127 = vector.load %arg14[%get3A_125, %get3A_126] : memref<1x128xf32, #tpu.memory_space<vmem>>, vector<1x128xf32>
      %add3A_128 = arith.constant 9.99999974E-6 : f32
      %add3A_129 = vector.broadcast %add3A_128 : f32 to vector<1x128xf32>
      %add3A_130 = arith.addf %get3A_127, %add3A_129 : vector<1x128xf32>
      %rsqrt3A_131 = math.rsqrt %add3A_130 : vector<1x128xf32>
      %mul3A_132 = vector.broadcast %rsqrt3A_131 : vector<1x128xf32> to vector<64x128xf32>
      %mul3A_133 = arith.mulf %sub3A_124, %mul3A_132 : vector<64x128xf32>
      %get3A_134 = arith.constant 0 : index
      %get3A_135 = arith.constant 0 : index
      %get3A_136 = vector.load %arg11[%get3A_134, %get3A_135] : memref<1x128xf32, #tpu.memory_space<vmem>>, vector<1x128xf32>
      %mul3A_137 = vector.broadcast %get3A_136 : vector<1x128xf32> to vector<64x128xf32>
      %mul3A_138 = arith.mulf %mul3A_133, %mul3A_137 : vector<64x128xf32>
      %get3A_139 = arith.constant 0 : index
      %get3A_140 = arith.constant 0 : index
      %get3A_141 = vector.load %arg12[%get3A_139, %get3A_140] : memref<1x128xf32, #tpu.memory_space<vmem>>, vector<1x128xf32>
      %add3A_142 = vector.broadcast %get3A_141 : vector<1x128xf32> to vector<64x128xf32>
      %add3A_143 = arith.addf %mul3A_138, %add3A_142 : vector<64x128xf32>
      %get3A_144 = arith.constant 0 : index
      %get3A_145 = arith.constant 0 : index
      %get3A_146 = vector.load %arg15[%get3A_144, %get3A_145] : memref<128x128xf32, #tpu.memory_space<vmem>>, vector<128x128xf32>
      %dot_general3A_147 = arith.constant dense<0.000000e+00> : vector<64x128xf32>
      %dot_general3A_148 = tpu.matmul %add3A_143, %get3A_146, %dot_general3A_147 {dimension_numbers = #tpu.dot_dimension_numbers<[1], [0], [0], [1], [0, 0, 1, 1], [], []>, transpose_lhs_hint = false} : vector<64x128xf32>, vector<128x128xf32>, vector<64x128xf32> -> vector<64x128xf32>
      %get3A_149 = arith.constant 0 : index
      %get3A_150 = arith.constant 0 : index
      %get3A_151 = vector.load %arg16[%get3A_149, %get3A_150] : memref<1x128xf32, #tpu.memory_space<vmem>>, vector<1x128xf32>
      %add3A_152 = vector.broadcast %get3A_151 : vector<1x128xf32> to vector<64x128xf32>
      %add3A_153 = arith.addf %dot_general3A_148, %add3A_152 : vector<64x128xf32>
      %swap3A_154 = arith.constant 0 : index
      %swap3A_155 = arith.constant 0 : index
      %swap3A_156 = vector.load %arg17[%swap3A_154, %swap3A_155] : memref<64x128xf32, #tpu.memory_space<vmem>>, vector<64x128xf32>
      tpu.vector_store %arg17[%swap3A_154, %swap3A_155], %add3A_153 {strides = array<i32>} : memref<64x128xf32, #tpu.memory_space<vmem>>, vector<64x128xf32>,
    } else {
    }
    return
  }
  func.func @transform_0(%arg0: i32) -> (i32, i32, i32) {
    %c0_i32 = arith.constant 0 : i32
    %c0_i32_0 = arith.constant 0 : i32
    %c0_i32_1 = arith.constant 0 : i32
    return %c0_i32, %arg0, %c0_i32_0 : i32, i32, i32
  }
  func.func @transform_1(%arg0: i32) -> (i32, i32) {
    %c0_i32 = arith.constant 0 : i32
    %c0_i32_0 = arith.constant 0 : i32
    return %c0_i32, %arg0 : i32, i32
  }
  func.func @transform_2(%arg0: i32) -> (i32, i32, i32) {
    %c0_i32 = arith.constant 0 : i32
    %c0_i32_0 = arith.constant 0 : i32
    %c0_i32_1 = arith.constant 0 : i32
    return %arg0, %c0_i32, %c0_i32_0 : i32, i32, i32
  }
  func.func @transform_3(%arg0: i32) -> (i32, i32) {
    %c0_i32 = arith.constant 0 : i32
    %c0_i32_0 = arith.constant 0 : i32
    %c0_i32_1 = arith.constant 0 : i32
    return %c0_i32, %c0_i32_0 : i32, i32
  }
  func.func @transform_4(%arg0: i32) -> (i32, i32) {
    %c0_i32 = arith.constant 0 : i32
    %c0_i32_0 = arith.constant 0 : i32
    %c0_i32_1 = arith.constant 0 : i32
    return %c0_i32, %c0_i32_0 : i32, i32
  }
  func.func @transform_5(%arg0: i32) -> (i32, i32) {
    %c0_i32 = arith.constant 0 : i32
    %c0_i32_0 = arith.constant 0 : i32
    %c0_i32_1 = arith.constant 0 : i32
    return %c0_i32, %c0_i32_0 : i32, i32
  }
  func.func @transform_6(%arg0: i32) -> (i32, i32) {
    %c0_i32 = arith.constant 0 : i32
    %c0_i32_0 = arith.constant 0 : i32
    %c0_i32_1 = arith.constant 0 : i32
    return %c0_i32, %c0_i32_0 : i32, i32
  }
  func.func @transform_7(%arg0: i32) -> (i32, i32) {
    %c0_i32 = arith.constant 0 : i32
    %c0_i32_0 = arith.constant 0 : i32
    %c0_i32_1 = arith.constant 0 : i32
    return %c0_i32, %c0_i32_0 : i32, i32
  }
  func.func @transform_8(%arg0: i32) -> (i32, i32) {
    %c0_i32 = arith.constant 0 : i32
    %c0_i32_0 = arith.constant 0 : i32
    %c0_i32_1 = arith.constant 0 : i32
    return %c0_i32, %c0_i32_0 : i32, i32
  }
  func.func @transform_9(%arg0: i32) -> (i32, i32) {
    %c0_i32 = arith.constant 0 : i32
    %c0_i32_0 = arith.constant 0 : i32
    %c0_i32_1 = arith.constant 0 : i32
    return %c0_i32, %c0_i32_0 : i32, i32
  }
  func.func @transform_10(%arg0: i32) -> (i32, i32) {
    %c0_i32 = arith.constant 0 : i32
    %c0_i32_0 = arith.constant 0 : i32
    %c0_i32_1 = arith.constant 0 : i32
    return %c0_i32, %c0_i32_0 : i32, i32
  }
  func.func @transform_11(%arg0: i32) -> (i32, i32) {
    %c0_i32 = arith.constant 0 : i32
    %c0_i32_0 = arith.constant 0 : i32
    %c0_i32_1 = arith.constant 0 : i32
    return %c0_i32, %c0_i32_0 : i32, i32
  }
  func.func @transform_12(%arg0: i32) -> (i32, i32) {
    %c0_i32 = arith.constant 0 : i32
    %c0_i32_0 = arith.constant 0 : i32
    %c0_i32_1 = arith.constant 0 : i32
    return %c0_i32, %c0_i32_0 : i32, i32
  }
  func.func @transform_13(%arg0: i32) -> (i32, i32) {
    %c0_i32 = arith.constant 0 : i32
    %c0_i32_0 = arith.constant 0 : i32
    %c0_i32_1 = arith.constant 0 : i32
    return %c0_i32, %c0_i32_0 : i32, i32
  }
  func.func @transform_14(%arg0: i32) -> (i32, i32) {
    %c0_i32 = arith.constant 0 : i32
    %c0_i32_0 = arith.constant 0 : i32
    %c0_i32_1 = arith.constant 0 : i32
    return %c0_i32, %c0_i32_0 : i32, i32
  }
  func.func @transform_15(%arg0: i32) -> (i32, i32) {
    %c0_i32 = arith.constant 0 : i32
    %c0_i32_0 = arith.constant 0 : i32
    %c0_i32_1 = arith.constant 0 : i32
    return %c0_i32, %c0_i32_0 : i32, i32
  }
  func.func @transform_16(%arg0: i32) -> (i32, i32) {
    %c0_i32 = arith.constant 0 : i32
    %c0_i32_0 = arith.constant 0 : i32
    %c0_i32_1 = arith.constant 0 : i32
    return %c0_i32, %c0_i32_0 : i32, i32
  }
}

</mosaic_0001>

<sc_bundles>
// kernel: kernel.6.cloned.1.call-start
scs
__scs_entry_jumppad:
0x0: {  	(pc) =	sbr.rel $0x88, $3  }
0x1: {  	(tag) =	ssettag $0x0;
	lr =	simm.s32 $0x1  }
0x2: {  	[smem:$0x3F8C] =	sst lr;
	_ =	strace $0xD0000000  }
0x3: {  	_ = 	snop  }
0x4: {  	_ = 	snop  }
0x5: {  	_ = 	snop  }
0x6: {  	_ = 	snop  }
0x7: {  	_ = 	snop  }
__scs_overlays_trampoline_lowered:
0x8: {  	[smem:$0x3F9B] =	sst s0  }
0x9: {  	[smem:$0x3F9C] =	sst s1  }
0xa: {  	[smem:$0x3F9D] =	sst s2  }
0xb: {  	[smem:$0x3F9E] =	sst s3  }
0xc: {  	[smem:$0x3F9F] =	sst s4  }
0xd: {  	[smem:$0x3FA0] =	sst s5  }
0xe: {  	[smem:$0x3FA1] =	sst s6  }
0xf: {  	[smem:$0x3FA2] =	sst s7  }
0x10: {  	[smem:$0x3FA3] =	sst s8  }
0x11: {  	[smem:$0x3FA4] =	sst s9;
	s0 =	simm.s32 @!p0 $0x0  }
0x12: {  	s1 =	sld [smem:$0x3F8A];
	s0 =	simm.s32 @p0 $0x1  }
0x13: {  	[smem:$0x3FA5] =	sst s0;
	s0 =	simm.s32 @!p1 $0x0  }
0x14: {  	s2 =	sld [smem:$0x3F89];
	s0 =	simm.s32 @p1 $0x1  }
0x15: {  	[smem:$0x3FA6] =	sst s0;
	s0 =	simm.s32 @!p2 $0x0  }
0x16: {  	s3 =	sld [smem:$0x3FDB];
	s0 =	simm.s32 @p2 $0x1  }
0x17: {  	s4 =	simm.s32 $0x1BF5;
	[smem:$0x3FA8] =	sst s0  }
0x18: {  	s0 =	sld [smem:$0x3F8B];
	_ =	swait.ge [sflag:s4], $0x0  }
0x19: {  	s7 =	sld [smem:$0x3F8C]  }
0x1a: {  	s8 =	sadd.s32 $0xFFFFE003, lr  }
0x1b: {  	s9 =	sadd.s32 $0xFFFFFEF7, lr;
	s5 =	simm.s32 $0xFFFFFFFF;
	p2 =	slt.u32 s8, $0xFFFFF086  }
0x1c: {  	p1 =	slt.u32 s9, $0xF7A;
	s5 =	simm.s32 @!p2 $0x0  }
0x1d: {  	s5 =	simm.s32 @p1 $0x1;
	p0 =	seq.s32 s7, s2  }
0x1e: {  	s7 =	smul.u32 @!p0 $0xF7A, s2;
	p2 =	seq.s32 @!p0 s5, $0x0  }
0x1f: {  	s9 =	smul.u32 $0xF7A, s1;
	s8 =	simm.s32 @!p0 $0x1BF5;
	p2 =	por !p2, p0  }
0x20: {  	[sflag:s8] =	ssyncset.s32 @!p0 $0xFFFFF086;
	s6 =	sadd.s32 @!p0 s3, s7;
	s7 =	simm.s32 @!p0 $0x108  }
0x21: {  	s3 =	sadd.s32 s3, s9;
	s6 =	sadd.s32 @!p0 $0x88, s6;
	s7 =	simm.s32 @p2 $0x1082  }
0x22: {  	[simem:s7], [sflag:s8] =	dma.local @!p0 [hbm:s6], $0xF7A  }
0x23: {  	s9 =	sor.u32 $0xD0000000, s2;
	s6 =	simm.s32 $0x108;
	_ =	swait.ge @!p0 [sflag:s8], $0x0  }
0x24: {  	s3 =	sadd.s32 $0x88, s3;
	s6 =	simm.s32 @!p1 $0x1082;
	[sflag:s4] =	ssyncset.s32 $0xFFFFF086  }
0x25: {  	[simem:s6], [sflag:s4] =	dma.local [hbm:s3], $0xF7A  }
0x26: {  	[smem:$0x3F8C] =	sst s1;
	(tag) =	ssettag s2;
	_ =	strace s9  }
0x27: {  	s1 =	sld [smem:$0x3F9C]  }
0x28: {  	s2 =	sld [smem:$0x3F9D]  }
0x29: {  	s4 =	sld [smem:$0x3F9F]  }
0x2a: {  	p0 =	seq.s32 s5, $0x0;
	s5 =	sld [smem:$0x3FA0]  }
0x2b: {  	s6 =	sld [smem:$0x3FA1]  }
0x2c: {  	s7 =	sld [smem:$0x3FA2]  }
0x2d: {  	s3 =	simm.s32 $0x108;
	s8 =	sld [smem:$0x3FA3]  }
0x2e: {  	s3 =	simm.s32 @!p0 $0x1082;
	s9 =	sld [smem:$0x3FA4]  }
0x2f: {  	lr =	sadd.s32 s0, s3;
	s0 =	sld [smem:$0x3F9B]  }
0x30: {  	s3 =	sld [smem:$0x3F9E]  }
0x31: {  	[smem:$0x3FA7] =	sst s10  }
0x32: {  	s10 =	sld [smem:$0x3FA5];
	_ =	sdelay $0x3  }
0x33: {  	p0 =	seq.s32 s10, $0x1;
	s10 =	sld [smem:$0x3FA7];
	_ =	sdelay $0x3  }
0x34: {  	[smem:$0x3FA7] =	sst s10  }
0x35: {  	s10 =	sld [smem:$0x3FA6];
	_ =	sdelay $0x3  }
0x36: {  	p1 =	seq.s32 s10, $0x1;
	s10 =	sld [smem:$0x3FA7];
	_ =	sdelay $0x3  }
0x37: {  	[smem:$0x3FA7] =	sst s10  }
0x38: {  	s10 =	sld [smem:$0x3FA8]  }
0x39: {  	_ = 	snop;
	(pc) =	sbr.ind lr, $3  }
0x3a: {  	_ = 	snop  }
0x3b: {  	_ = 	snop  }
0x3c: {  	p2 =	seq.s32 s10, $0x1;
	s10 =	sld [smem:$0x3FA7]  }
0x3d: {  	_ =	shalt  }
0x3e: {  	_ =	shalt  }
0x3f: {  	_ =	shalt  }
0x40: {  	_ =	shalt  }
0x41: {  	_ =	shalt  }
0x42: {  	_ =	shalt  }
0x43: {  	_ =	shalt  }
0x44: {  	_ =	shalt  }
0x45: {  	_ =	shalt  }
0x46: {  	_ =	shalt  }
0x47: {  	_ =	shalt  }
0x48: {  	_ =	shalt  }
0x49: {  	_ =	shalt  }
0x4a: {  	_ =	shalt  }
0x4b: {  	_ =	shalt  }
0x4c: {  	_ =	shalt  }
0x4d: {  	_ =	shalt  }
0x4e: {  	_ =	shalt  }
0x4f: {  	_ =	shalt  }
0x50: {  	_ =	shalt  }
0x51: {  	_ =	shalt  }
0x52: {  	_ =	shalt  }
0x53: {  	_ =	shalt  }
0x54: {  	_ =	shalt  }
0x55: {  	_ =	shalt  }
0x56: {  	_ =	shalt  }
0x57: {  	_ =	shalt  }
0x58: {  	_ =	shalt  }
0x59: {  	_ =	shalt  }
0x5a: {  	_ =	shalt  }
0x5b: {  	_ =	shalt  }
0x5c: {  	_ =	shalt  }
0x5d: {  	_ =	shalt  }
0x5e: {  	_ =	shalt  }
0x5f: {  	_ =	shalt  }
0x60: {  	_ =	shalt  }
0x61: {  	_ =	shalt  }
0x62: {  	_ =	shalt  }
0x63: {  	_ =	shalt  }
0x64: {  	_ =	shalt  }
0x65: {  	_ =	shalt  }
0x66: {  	_ =	shalt  }
0x67: {  	_ =	shalt  }
0x68: {  	_ =	shalt  }
0x69: {  	_ =	shalt  }
0x6a: {  	_ =	shalt  }
0x6b: {  	_ =	shalt  }
0x6c: {  	_ =	shalt  }
0x6d: {  	_ =	shalt  }
0x6e: {  	_ =	shalt  }
0x6f: {  	_ =	shalt  }
0x70: {  	_ =	shalt  }
0x71: {  	_ =	shalt  }
0x72: {  	_ =	shalt  }
0x73: {  	_ =	shalt  }
0x74: {  	_ =	shalt  }
0x75: {  	_ =	shalt  }
0x76: {  	_ =	shalt  }
0x77: {  	_ =	shalt  }
0x78: {  	_ =	shalt  }
0x79: {  	_ =	shalt  }
0x7a: {  	_ =	shalt  }
0x7b: {  	_ =	shalt  }
0x7c: {  	_ =	shalt  }
0x7d: {  	_ =	shalt  }
0x7e: {  	_ =	shalt  }
0x7f: {  	_ =	shalt  }
0x80: {  	_ =	shalt  }
0x81: {  	_ =	shalt  }
0x82: {  	_ =	shalt  }
0x83: {  	_ =	shalt  }
0x84: {  	_ =	shalt  }
0x85: {  	_ =	shalt  }
0x86: {  	_ =	shalt  }
0x87: {  	_ =	shalt  }
.Lfunc_end0:
.L_simem_size_0:
called_computation_lowered:
.L_overlay_start_0:
0x88: {  	s2 =	sld [smem:$0x3FD9]  }
0x89: {  	s3 =	sld [smem:$0x3FFE];
	_ =	sdelay $0x1  }
0x8a: {  	s1 =	srdreg.scid  }
0x8b: {  	s0 =	sand.u32 $0x1, s1  }
0x8c: {  	s16 =	sshll.u32 s0, $0xA;
	s2 =	sadd.s32 s3, s2  }
0x8d: {  	s2 =	sadd.s32 s2, s16  }
0x8e: {  	[smem:$0x3FB3] =	sst s2  }
0x8f: {  	_ = 	snop  }
0x90: {  	(tm) =	ssettm $0x1  }
0x91: {  	s17 =	sld [smem:$0x3FFB];
	_ =	sdelay $0x3  }
0x92: {  	_ =	strace s17  }
0x93: {  	s2 =	sld [smem:$0x3FFC];
	_ =	sdelay $0x3  }
0x94: {  	_ =	strace s2  }
0x95: {  	s2 =	sld [smem:$0x3FFD];
	_ =	sdelay $0x3  }
0x96: {  	_ =	strace s2  }
0x97: {  	_ =	strace $0x8FFFFFFF  }
0x98: {  	s18 =	sld [smem:$0x3FDB];
	_ =	sdelay $0x1  }
0x99: {  	s19 =	simm.s32 $_scs_section_size  }
0x9a: {  	s4 =	simm.s32 $_size__tile_overlayer_lowered;
	s5 =	simm.s32 $_tile_overlayer_lowered  }
0x9b: {  	s22 =	simm.s32 $0x1BFF;
	s21 =	sshll.u32 s5, $0x1;
	s2 =	sadd.s32 s19, s18  }
0x9c: {  	s6 =	simm.s32 $0x0;
	s20 =	sshll.u32 s4, $0x1;
	s4 =	sadd.s32 s21, s2  }
0x9d: {  	[timem:s6], [sflag:s22] =	dma.local [hbm:s4], s20  }
0x9e: {  	_ =	swait.ge [sflag:s22], s20  }
0x9f: {  	s3 =	ssub.s32 $0x0, s20;
	[sflag:s22] =	ssyncset.done $0x0  }
0xa0: {  	[sflag:s22] =	ssyncadd.s32 s3;
	_ =	sdelay $0x1  }
0xa1: {  	s23 =	simm.s32 $0x1B8B  }
0xa2: {  	_ =	swait.ge [sflag:s23], $0x1  }
0xa3: {  	[sflag:s23] =	ssyncset.done $0x0  }
0xa4: {  	s25 =	simm.s32 $0x1B8E;
	s24 =	sld [smem:$0x3FFE];
	[sflag:s23] =	ssyncadd.s32 $0xFFFFFFFF  }
0xa5: {  	s26 =	simm.s32 $execute0_lowered;
	[smem:$0x3FD2] =	sst s25  }
0xa6: {  	s4 =	sshll.u32 s26, $0x1;
	_ =	strace $0x80000046;
	[dreg:$0x1] =	wrdreg $0xFFFFFFFF  }
0xa7: {  	s28 =	simm.s32 $_size_execute0_lowered;
	s2 =	sadd.s32 s2, s4;
	[dreg:$0x0] =	wrdreg $0x0  }
0xa8: {  	s4 =	sshll.u32 s28, $0x1;
	[dreg:$0x2] =	wrdreg s2  }
0xa9: {  	[dreg:$0x3] =	wrdreg s4  }
0xaa: {  	[dreg:$0x4] =	wrdreg $0xC0  }
0xab: {  	_ =	task [dreg:s6], $0x5FFFF  }
0xac: {  	[dreg:$0x1] =	wrdreg $0xFFFFFFFF  }
0xad: {  	[dreg:$0x0] =	wrdreg $0x60  }
0xae: {  	[dreg:$0x2] =	wrdreg s24  }
0xaf: {  	[dreg:$0x3] =	wrdreg $0x0  }
0xb0: {  	[dreg:$0x4] =	wrdreg $0x9  }
0xb1: {  	_ =	task.clear_ibuf [dreg:s6], $0x5FFFF;
	_ =	strace $0x90000046  }
0xb2: {  	s29 =	simm.s32 $0x9;
	_ =	strace $0x80000048  }
0xb3: {  	_ =	swait.ge [sflag:s29], $0x1  }
0xb4: {  	[sflag:s29] =	ssyncadd.s32 $0xFFFFFFFF  }
0xb5: {  	_ =	strace $0x90000048  }
0xb6: {  	_ =	sfence  }
0xb7: {  	s30 =	sld [smem:$0x0];
	_ =	sdelay $0x2  }
0xb8: {  	s31 =	sshll.u32 s1, $0xD;
	s1 =	sshrl.u32 s1, $0x2  }
0xb9: {  	s3 =	sand.u32 $0x4000, s31;
	s1 =	sadd.s32 s1, s30  }
0xba: {  	s0 =	sor.u32 s3, s0;
	s1 =	sshll.u32 s1, $0x11  }
0xbb: {  	s0 =	sor.u32 s1, s0  }
0xbc: {  	s0 =	sadd.s32 $0x8F2B, s0  }
0xbd: {  	[sflag:s0] =	ssyncadd.remote.s32 $0x1  }
0xbe: {  	_ =	sfence.sel $0xFFFF  }
0xbf: {  	[dreg:$0x0] =	wrdreg $0xFFFFFFFF;
	(pc) =	sbr.abs _section_cstart, $3  }
0xc0: {  	[dreg:$0x1] =	wrdreg $0xFFFFFFFF  }
0xc1: {  	_ =	task.clear_ibuf [dreg:s6], $0x2FFFF;
	_ =	strace $0x9FFFFFFF  }
0xc2: {  	(tm) =	ssettm $0x7FFFFFFF  }
0xc3: {  	_ =	shalt  }
tec
execute0_lowered:
.L_overlay_start_1:
0x0: {  	(tag) =	ssettag $0x1  }
0x1: {  	s4 =	rddreg [dreg:$0x0]  }
0x2: {  	s1 =	rddreg [dreg:$0x1]  }
0x3: {  	s2 =	srdreg.scid;
	s0 =	rddreg [dreg:$0x2];
	s3 =	simm.s32 $0x0  }
0x4: {  	s10 =	simm.s32 $0x1700;
	s11 =	simm.s32 $0x80;
	s12 =	simm.s32 $0x1680  }
0x5: {  	s15 =	simm.s32 $0x20;
	s16 =	simm.s32 $0x10;
	s17 =	simm.s32 $0x0  }
0x6: {  	s5 =	sand.u32 $0x1, s2;
	s2 =	stileid.u32;
	[smem:$0x7FF] =	sst s3  }
0x7: {  	s6 =	sshll.u32 s5, $0x4;
	s7 =	smul.u32 $0x500, s2;
	_ =	strace $0x80000047  }
0x8: {  	s8 =	sshll.u32 s5, $0x7;
	s5 =	ssub.s32 $0x2, s5;
	s30 =	smul.u32 $0xA00, s2  }
0x9: {  	s13 =	sshll.u32 s2, $0x6;
	s6 =	sor.u32 s2, s6;
	s9 =	sshrl.u32 s5, $0x1  }
0xa: {  	s13 =	sor.u32 $0x1C01, s13;
	s6 =	smul.u32 $0x280, s6;
	s7 =	sor.u32 s8, s7  }
0xb: {  	s9 =	ssub.s32 s5, s9;
	s31 =	sshrl.u32 s30, $0x2;
	s8 =	simm.s32 $0x280  }
0xc: {  	s7 =	sshrl.u32 s7, $0x3;
	s5 =	sadd.s32 s31, s1;
	s6 =	sadd.s32 s6, s4  }
0xd: {  	s7 =	sadd.s32 s7, s4;
	s14 =	sshrl.u32 s5, $0x3;
	s4 =	sadd.s32 $0x3800, s6  }
0xe: {  	v0 =	vimm.f32 $1.000000000e+00;
	v1 =	vimm.f32 $0.0e+00;
	s6 =	sadd.s32 $0xE000, s7;
	s7 =	smax.u32 s9, $0x1;
	s9 =	simm.s32 $0x1  }
.LBB2_1:
0xf: {  	[tilespmem:s8], [sflag:$0x1] =	stream.linear.gather [hbm4b:s4+s3], $0x1400, $0x38;
	[tilespmem:$0x1980] =	vst v63  }
0x10: {  	_ =	swait.ge [sflag:s9], $0x1400  }
0x11: {  	[sflag:s9] =	ssyncset.done $0x0  }
0x12: {  	[sflag:s9] =	ssyncadd.s32 $0xFFFFEC00  }
0x13: {  	[tilespmem:$0x1680] =	vst v0  }
0x14: {  	[tilespmem:$0x1690] =	vst v0  }
0x15: {  	[tilespmem:$0x16A0] =	vst v0  }
0x16: {  	[tilespmem:$0x16B0] =	vst v0  }
0x17: {  	[tilespmem:$0x16C0] =	vst v0  }
0x18: {  	[tilespmem:$0x16D0] =	vst v0  }
0x19: {  	[tilespmem:$0x16E0] =	vst v0  }
0x1a: {  	[tilespmem:$0x16F0] =	vst v0  }
0x1b: {  	[tilespmem:$0x1700] =	vst v1  }
0x1c: {  	[tilespmem:$0x1710] =	vst v1  }
0x1d: {  	[tilespmem:$0x1720] =	vst v1  }
0x1e: {  	[tilespmem:$0x1730] =	vst v1  }
0x1f: {  	[tilespmem:$0x1740] =	vst v1  }
0x20: {  	[tilespmem:$0x1750] =	vst v1  }
0x21: {  	[tilespmem:$0x1760] =	vst v1  }
0x22: {  	[tilespmem:$0x1770] =	vst v1  }
0x23: {  	[tilespmem:$0x1780] =	vst v1  }
0x24: {  	[tilespmem:$0x1790] =	vst v1  }
0x25: {  	[tilespmem:$0x17A0] =	vst v1  }
0x26: {  	[tilespmem:$0x17B0] =	vst v1  }
0x27: {  	[tilespmem:$0x17C0] =	vst v1  }
0x28: {  	[tilespmem:$0x17D0] =	vst v1  }
0x29: {  	[tilespmem:$0x17E0] =	vst v1  }
0x2a: {  	[tilespmem:$0x17F0] =	vst v1  }
0x2b: {  	[tilespmem:$0x1800] =	vst v1  }
0x2c: {  	[tilespmem:$0x1810] =	vst v1  }
0x2d: {  	[tilespmem:$0x1820] =	vst v1  }
0x2e: {  	[tilespmem:$0x1830] =	vst v1  }
0x2f: {  	[tilespmem:$0x1840] =	vst v1  }
0x30: {  	[tilespmem:$0x1850] =	vst v1  }
0x31: {  	[tilespmem:$0x1860] =	vst v1  }
0x32: {  	[tilespmem:$0x1870] =	vst v1  }
0x33: {  	[tilespmem:$0x1880] =	vst v1  }
0x34: {  	[tilespmem:$0x1890] =	vst v1  }
0x35: {  	[tilespmem:$0x18A0] =	vst v1  }
0x36: {  	[tilespmem:$0x18B0] =	vst v1  }
0x37: {  	[tilespmem:$0x18C0] =	vst v1  }
0x38: {  	[tilespmem:$0x18D0] =	vst v1  }
0x39: {  	[tilespmem:$0x18E0] =	vst v1  }
0x3a: {  	[tilespmem:$0x18F0] =	vst v1  }
0x3b: {  	[tilespmem:$0x1900] =	vst v1  }
0x3c: {  	[tilespmem:$0x1910] =	vst v1  }
0x3d: {  	[tilespmem:$0x1920] =	vst v1  }
0x3e: {  	[tilespmem:$0x1930] =	vst v1  }
0x3f: {  	[tilespmem:$0x1940] =	vst v1  }
0x40: {  	[tilespmem:$0x1950] =	vst v1  }
0x41: {  	[tilespmem:$0x1960] =	vst v1  }
0x42: {  	[tilespmem:$0x1970] =	vst v1  }
0x43: {  	[spmem:s5] =	stream.linear.scatter [tilespmem:s10], [sflag:$0x1], $0x280, $0x38;
	[tilespmem:$0x1980] =	vst v63  }
0x44: {  	_ =	swait.ge [sflag:s9], $0x280  }
0x45: {  	[sflag:s9] =	ssyncset.done $0x0  }
0x46: {  	[sflag:s9] =	ssyncadd.s32 $0xFFFFFD80  }
0x47: {  	s18 =	simm.s32 $0x280;
	[bflag:$0x0] =	sbarrier.arrive $0xFFFF  }
0x48: {  	[spmem:s1] =	stream.indirect.scatter.add.f32 [tilespmem:s12], [sflag:$0x1], $0x1, s18, s11, $0xb8;
	[tilespmem:$0x1980] =	vst v63  }
0x49: {  	s18 =	simm.s32 $0x200;
	_ =	swait.ge [sflag:s9], $0x80  }
.LBB2_2:
0x4a: {  	s19 =	sshra.s32 s18, $0x2;
	[sflag:s9] =	ssyncset.done $0x0;
	p0 =	sne.s32 s18, $0x4E00  }
.Ltmp0:
0x4b: {  	s19 =	sadd.s32 $0x280, s19;
	[sflag:s9] =	ssyncadd.s32 $0xFFFFFF80;
	(pc) =	sbr.rel @p0 .LBB2_2-.Ltmp0, $3  }
0x4c: {  	[spmem:s1] =	stream.indirect.scatter.add.f32 [tilespmem:s12], [sflag:$0x1], $0x1, s19, s11, $0xb8;
	[tilespmem:$0x1980] =	vst v63  }
0x4d: {  	s18 =	sadd.s32 $0x200, s18;
	_ =	sdelay $0x1  }
0x4e: {  	_ =	swait.ge [sflag:s9], $0x80  }
0x4f: {  	[sflag:s9] =	ssyncset.done $0x0;
	s17 =	sadd.s32 $0x1, s17  }
0x50: {  	[sflag:s9] =	ssyncadd.s32 $0xFFFFFF80;
	p0 =	sne.s32 s17, s7  }
.Ltmp1:
0x51: {  	[bflag:$0x0] =	sbarrier.arrive $0xFFFF;
	(pc) =	sbr.rel @p0 .LBB2_1-.Ltmp1, $4  }
0x52: {  	[hbm:s6@s15], [sflag:s13] =	dma.strided [spmem:s14@s16], $0x50, s9, $0x10   }
0x53: {  	_ =	swait.ge [sflag:s9], $0x50  }
0x54: {  	[sflag:s9] =	ssyncset.done $0x0  }
0x55: {  	[sflag:s9] =	ssyncadd.s32 $0xFFFFFFB0  }
0x56: {  	_ =	sfence.sel $0x180000  }
0x57: {  	[bflag:$0x0] =	sbarrier.arrive $0xFFFF  }
0x58: {  	p0 =	sne.s32 s2, $0x0;
	_ =	strace $0x90000047  }
0x59: {  	s0 =	sadd.s32 @!p0 $0x100000, s0;
	[bflag:$0x2] =	sbarrier.arrive $0xFFFF  }
0x5a: {  	[sflag:s0] =	ssyncadd.tile.s32 @!p0 $0x1;
	_ =	shalt  }
.Lfunc_end2:
_tile_overlayer_lowered:
.L_overlay_start_2:
0x5b: {  	(tag) =	ssettag $0x2  }
0x5c: {  	s0 =	rddreg [dreg:$0x0];
	s2 =	stileid.u32  }
0x5d: {  	s1 =	rddreg [dreg:$0x1];
	p0 =	sne.s32 s2, $0x0  }
0x5e: {  	s3 =	rddreg [dreg:$0x2];
	[bflag:$0x3] =	sbarrier.arrive $0xFFFF;
	s2 =	simm.s32 @!p0 $0x1C01  }
0x5f: {  	[timem:s3], [sflag:s2] =	dma.local @!p0 [hbm:s0], s1  }
0x60: {  	s0 =	simm.s32 @!p0 $0x1  }
0x61: {  	_ =	swait.ge @!p0 [sflag:s0], s1  }
0x62: {  	s1 =	ssub.s32 @!p0 $0x0, s1;
	[sflag:s0] =	ssyncset.done @!p0 $0x0  }
0x63: {  	[sflag:s0] =	ssyncadd.s32 @!p0 s1  }
0x64: {  	[bflag:$0x3] =	sbarrier.arrive $0xFFFF  }
0x65: {  	_ =	shalt  }

// kernel: kernel.9.cloned.1.call-start
scs
__scs_entry_jumppad:
0x0: {  	(pc) =	sbr.rel $0x88, $3  }
0x1: {  	(tag) =	ssettag $0x0;
	lr =	simm.s32 $0x1  }
0x2: {  	[smem:$0x3F8C] =	sst lr;
	_ =	strace $0xD0000000  }
0x3: {  	_ = 	snop  }
0x4: {  	_ = 	snop  }
0x5: {  	_ = 	snop  }
0x6: {  	_ = 	snop  }
0x7: {  	_ = 	snop  }
__scs_overlays_trampoline_lowered:
0x8: {  	[smem:$0x3F9B] =	sst s0  }
0x9: {  	[smem:$0x3F9C] =	sst s1  }
0xa: {  	[smem:$0x3F9D] =	sst s2  }
0xb: {  	[smem:$0x3F9E] =	sst s3  }
0xc: {  	[smem:$0x3F9F] =	sst s4  }
0xd: {  	[smem:$0x3FA0] =	sst s5  }
0xe: {  	[smem:$0x3FA1] =	sst s6  }
0xf: {  	[smem:$0x3FA2] =	sst s7  }
0x10: {  	[smem:$0x3FA3] =	sst s8  }
0x11: {  	[smem:$0x3FA4] =	sst s9;
	s0 =	simm.s32 @!p0 $0x0  }
0x12: {  	s1 =	sld [smem:$0x3F8A];
	s0 =	simm.s32 @p0 $0x1  }
0x13: {  	[smem:$0x3FA5] =	sst s0;
	s0 =	simm.s32 @!p1 $0x0  }
0x14: {  	s2 =	sld [smem:$0x3F89];
	s0 =	simm.s32 @p1 $0x1  }
0x15: {  	[smem:$0x3FA6] =	sst s0;
	s0 =	simm.s32 @!p2 $0x0  }
0x16: {  	s3 =	sld [smem:$0x3FDB];
	s0 =	simm.s32 @p2 $0x1  }
0x17: {  	s4 =	simm.s32 $0x1BF5;
	[smem:$0x3FA8] =	sst s0  }
0x18: {  	s0 =	sld [smem:$0x3F8B];
	_ =	swait.ge [sflag:s4], $0x0  }
0x19: {  	s7 =	sld [smem:$0x3F8C]  }
0x1a: {  	s8 =	sadd.s32 $0xFFFFE003, lr  }
0x1b: {  	s9 =	sadd.s32 $0xFFFFFEF7, lr;
	s5 =	simm.s32 $0xFFFFFFFF;
	p2 =	slt.u32 s8, $0xFFFFF086  }
0x1c: {  	p1 =	slt.u32 s9, $0xF7A;
	s5 =	simm.s32 @!p2 $0x0  }
0x1d: {  	s5 =	simm.s32 @p1 $0x1;
	p0 =	seq.s32 s7, s2  }
0x1e: {  	s7 =	smul.u32 @!p0 $0xF7A, s2;
	p2 =	seq.s32 @!p0 s5, $0x0  }
0x1f: {  	s9 =	smul.u32 $0xF7A, s1;
	s8 =	simm.s32 @!p0 $0x1BF5;
	p2 =	por !p2, p0  }
0x20: {  	[sflag:s8] =	ssyncset.s32 @!p0 $0xFFFFF086;
	s6 =	sadd.s32 @!p0 s3, s7;
	s7 =	simm.s32 @!p0 $0x108  }
0x21: {  	s3 =	sadd.s32 s3, s9;
	s6 =	sadd.s32 @!p0 $0x88, s6;
	s7 =	simm.s32 @p2 $0x1082  }
0x22: {  	[simem:s7], [sflag:s8] =	dma.local @!p0 [hbm:s6], $0xF7A  }
0x23: {  	s9 =	sor.u32 $0xD0000000, s2;
	s6 =	simm.s32 $0x108;
	_ =	swait.ge @!p0 [sflag:s8], $0x0  }
0x24: {  	s3 =	sadd.s32 $0x88, s3;
	s6 =	simm.s32 @!p1 $0x1082;
	[sflag:s4] =	ssyncset.s32 $0xFFFFF086  }
0x25: {  	[simem:s6], [sflag:s4] =	dma.local [hbm:s3], $0xF7A  }
0x26: {  	[smem:$0x3F8C] =	sst s1;
	(tag) =	ssettag s2;
	_ =	strace s9  }
0x27: {  	s1 =	sld [smem:$0x3F9C]  }
0x28: {  	s2 =	sld [smem:$0x3F9D]  }
0x29: {  	s4 =	sld [smem:$0x3F9F]  }
0x2a: {  	p0 =	seq.s32 s5, $0x0;
	s5 =	sld [smem:$0x3FA0]  }
0x2b: {  	s6 =	sld [smem:$0x3FA1]  }
0x2c: {  	s7 =	sld [smem:$0x3FA2]  }
0x2d: {  	s3 =	simm.s32 $0x108;
	s8 =	sld [smem:$0x3FA3]  }
0x2e: {  	s3 =	simm.s32 @!p0 $0x1082;
	s9 =	sld [smem:$0x3FA4]  }
0x2f: {  	lr =	sadd.s32 s0, s3;
	s0 =	sld [smem:$0x3F9B]  }
0x30: {  	s3 =	sld [smem:$0x3F9E]  }
0x31: {  	[smem:$0x3FA7] =	sst s10  }
0x32: {  	s10 =	sld [smem:$0x3FA5];
	_ =	sdelay $0x3  }
0x33: {  	p0 =	seq.s32 s10, $0x1;
	s10 =	sld [smem:$0x3FA7];
	_ =	sdelay $0x3  }
0x34: {  	[smem:$0x3FA7] =	sst s10  }
0x35: {  	s10 =	sld [smem:$0x3FA6];
	_ =	sdelay $0x3  }
0x36: {  	p1 =	seq.s32 s10, $0x1;
	s10 =	sld [smem:$0x3FA7];
	_ =	sdelay $0x3  }
0x37: {  	[smem:$0x3FA7] =	sst s10  }
0x38: {  	s10 =	sld [smem:$0x3FA8]  }
0x39: {  	_ = 	snop;
	(pc) =	sbr.ind lr, $3  }
0x3a: {  	_ = 	snop  }
0x3b: {  	_ = 	snop  }
0x3c: {  	p2 =	seq.s32 s10, $0x1;
	s10 =	sld [smem:$0x3FA7]  }
0x3d: {  	_ =	shalt  }
0x3e: {  	_ =	shalt  }
0x3f: {  	_ =	shalt  }
0x40: {  	_ =	shalt  }
0x41: {  	_ =	shalt  }
0x42: {  	_ =	shalt  }
0x43: {  	_ =	shalt  }
0x44: {  	_ =	shalt  }
0x45: {  	_ =	shalt  }
0x46: {  	_ =	shalt  }
0x47: {  	_ =	shalt  }
0x48: {  	_ =	shalt  }
0x49: {  	_ =	shalt  }
0x4a: {  	_ =	shalt  }
0x4b: {  	_ =	shalt  }
0x4c: {  	_ =	shalt  }
0x4d: {  	_ =	shalt  }
0x4e: {  	_ =	shalt  }
0x4f: {  	_ =	shalt  }
0x50: {  	_ =	shalt  }
0x51: {  	_ =	shalt  }
0x52: {  	_ =	shalt  }
0x53: {  	_ =	shalt  }
0x54: {  	_ =	shalt  }
0x55: {  	_ =	shalt  }
0x56: {  	_ =	shalt  }
0x57: {  	_ =	shalt  }
0x58: {  	_ =	shalt  }
0x59: {  	_ =	shalt  }
0x5a: {  	_ =	shalt  }
0x5b: {  	_ =	shalt  }
0x5c: {  	_ =	shalt  }
0x5d: {  	_ =	shalt  }
0x5e: {  	_ =	shalt  }
0x5f: {  	_ =	shalt  }
0x60: {  	_ =	shalt  }
0x61: {  	_ =	shalt  }
0x62: {  	_ =	shalt  }
0x63: {  	_ =	shalt  }
0x64: {  	_ =	shalt  }
0x65: {  	_ =	shalt  }
0x66: {  	_ =	shalt  }
0x67: {  	_ =	shalt  }
0x68: {  	_ =	shalt  }
0x69: {  	_ =	shalt  }
0x6a: {  	_ =	shalt  }
0x6b: {  	_ =	shalt  }
0x6c: {  	_ =	shalt  }
0x6d: {  	_ =	shalt  }
0x6e: {  	_ =	shalt  }
0x6f: {  	_ =	shalt  }
0x70: {  	_ =	shalt  }
0x71: {  	_ =	shalt  }
0x72: {  	_ =	shalt  }
0x73: {  	_ =	shalt  }
0x74: {  	_ =	shalt  }
0x75: {  	_ =	shalt  }
0x76: {  	_ =	shalt  }
0x77: {  	_ =	shalt  }
0x78: {  	_ =	shalt  }
0x79: {  	_ =	shalt  }
0x7a: {  	_ =	shalt  }
0x7b: {  	_ =	shalt  }
0x7c: {  	_ =	shalt  }
0x7d: {  	_ =	shalt  }
0x7e: {  	_ =	shalt  }
0x7f: {  	_ =	shalt  }
0x80: {  	_ =	shalt  }
0x81: {  	_ =	shalt  }
0x82: {  	_ =	shalt  }
0x83: {  	_ =	shalt  }
0x84: {  	_ =	shalt  }
0x85: {  	_ =	shalt  }
0x86: {  	_ =	shalt  }
0x87: {  	_ =	shalt  }
.Lfunc_end0:
.L_simem_size_0:
called_computation.1_lowered:
.L_overlay_start_0:
0x88: {  	s2 =	sld [smem:$0x3FD9]  }
0x89: {  	s3 =	sld [smem:$0x3FFE];
	_ =	sdelay $0x1  }
0x8a: {  	s1 =	srdreg.scid  }
0x8b: {  	s0 =	sand.u32 $0x1, s1  }
0x8c: {  	s16 =	sshll.u32 s0, $0xA;
	s2 =	sadd.s32 s3, s2  }
0x8d: {  	s2 =	sadd.s32 s2, s16  }
0x8e: {  	[smem:$0x3FB3] =	sst s2  }
0x8f: {  	_ = 	snop  }
0x90: {  	(tm) =	ssettm $0x1  }
0x91: {  	s17 =	sld [smem:$0x3FFB];
	_ =	sdelay $0x3  }
0x92: {  	_ =	strace s17  }
0x93: {  	s2 =	sld [smem:$0x3FFC];
	_ =	sdelay $0x3  }
0x94: {  	_ =	strace s2  }
0x95: {  	s2 =	sld [smem:$0x3FFD];
	_ =	sdelay $0x3  }
0x96: {  	_ =	strace s2  }
0x97: {  	_ =	strace $0x8FFFFFFF  }
0x98: {  	s18 =	sld [smem:$0x3FDB];
	_ =	sdelay $0x1  }
0x99: {  	s19 =	simm.s32 $_scs_section_size  }
0x9a: {  	s4 =	simm.s32 $_size__tile_overlayer_lowered;
	s5 =	simm.s32 $_tile_overlayer_lowered  }
0x9b: {  	s22 =	simm.s32 $0x1BFF;
	s21 =	sshll.u32 s5, $0x1;
	s2 =	sadd.s32 s19, s18  }
0x9c: {  	s6 =	simm.s32 $0x0;
	s20 =	sshll.u32 s4, $0x1;
	s4 =	sadd.s32 s21, s2  }
0x9d: {  	[timem:s6], [sflag:s22] =	dma.local [hbm:s4], s20  }
0x9e: {  	_ =	swait.ge [sflag:s22], s20  }
0x9f: {  	s3 =	ssub.s32 $0x0, s20;
	[sflag:s22] =	ssyncset.done $0x0  }
0xa0: {  	[sflag:s22] =	ssyncadd.s32 s3;
	_ =	sdelay $0x1  }
0xa1: {  	s23 =	simm.s32 $0x1B8B  }
0xa2: {  	_ =	swait.ge [sflag:s23], $0x1  }
0xa3: {  	[sflag:s23] =	ssyncset.done $0x0  }
0xa4: {  	s25 =	simm.s32 $0x1B8E;
	s24 =	sld [smem:$0x3FFE];
	[sflag:s23] =	ssyncadd.s32 $0xFFFFFFFF  }
0xa5: {  	s26 =	simm.s32 $execute0_lowered;
	[smem:$0x3FD2] =	sst s25  }
0xa6: {  	s4 =	sshll.u32 s26, $0x1;
	_ =	strace $0x80000049;
	[dreg:$0x1] =	wrdreg $0xFFFFFFFF  }
0xa7: {  	s28 =	simm.s32 $_size_execute0_lowered;
	s2 =	sadd.s32 s2, s4;
	[dreg:$0x0] =	wrdreg $0x0  }
0xa8: {  	s4 =	sshll.u32 s28, $0x1;
	[dreg:$0x2] =	wrdreg s2  }
0xa9: {  	[dreg:$0x3] =	wrdreg s4  }
0xaa: {  	[dreg:$0x4] =	wrdreg $0xC0  }
0xab: {  	_ =	task [dreg:s6], $0x5FFFF  }
0xac: {  	[dreg:$0x1] =	wrdreg $0xFFFFFFFF  }
0xad: {  	[dreg:$0x0] =	wrdreg $0x60  }
0xae: {  	[dreg:$0x2] =	wrdreg s24  }
0xaf: {  	[dreg:$0x3] =	wrdreg $0x0  }
0xb0: {  	[dreg:$0x4] =	wrdreg $0x9  }
0xb1: {  	_ =	task.clear_ibuf [dreg:s6], $0x5FFFF;
	_ =	strace $0x90000049  }
0xb2: {  	s29 =	simm.s32 $0x9;
	_ =	strace $0x8000004B  }
0xb3: {  	_ =	swait.ge [sflag:s29], $0x1  }
0xb4: {  	[sflag:s29] =	ssyncadd.s32 $0xFFFFFFFF  }
0xb5: {  	_ =	strace $0x9000004B  }
0xb6: {  	_ =	sfence  }
0xb7: {  	s30 =	sld [smem:$0x0];
	_ =	sdelay $0x2  }
0xb8: {  	s31 =	sshll.u32 s1, $0xD;
	s1 =	sshrl.u32 s1, $0x2  }
0xb9: {  	s3 =	sand.u32 $0x4000, s31;
	s1 =	sadd.s32 s1, s30  }
0xba: {  	s0 =	sor.u32 s3, s0;
	s1 =	sshll.u32 s1, $0x11  }
0xbb: {  	s0 =	sor.u32 s1, s0  }
0xbc: {  	s0 =	sadd.s32 $0x8F2B, s0  }
0xbd: {  	[sflag:s0] =	ssyncadd.remote.s32 $0x1  }
0xbe: {  	_ =	sfence.sel $0xFFFF  }
0xbf: {  	[dreg:$0x0] =	wrdreg $0xFFFFFFFF;
	(pc) =	sbr.abs _section_cstart, $3  }
0xc0: {  	[dreg:$0x1] =	wrdreg $0xFFFFFFFF  }
0xc1: {  	_ =	task.clear_ibuf [dreg:s6], $0x2FFFF;
	_ =	strace $0x9FFFFFFF  }
0xc2: {  	(tm) =	ssettm $0x7FFFFFFF  }
0xc3: {  	_ =	shalt  }
tec
execute0_lowered:
.L_overlay_start_1:
0x0: {  	(tag) =	ssettag $0x1  }
0x1: {  	s0 =	rddreg [dreg:$0x0]  }
0x2: {  	s2 =	rddreg [dreg:$0x1];
	s3 =	simm.s32 $0x0  }
0x3: {  	s1 =	srdreg.scid;
	s14 =	stileid.u32;
	s12 =	simm.s32 $0x14000  }
0x4: {  	s13 =	simm.s32 $0x3;
	s16 =	simm.s32 $0x16400;
	s17 =	simm.s32 $0x80  }
0x5: {  	s18 =	simm.s32 $0x17800;
	s19 =	simm.s32 $0x1;
	s20 =	simm.s32 $0x1B800  }
0x6: {  	s21 =	simm.s32 $0x2;
	s31 =	simm.s32 $0x16500;
	s22 =	simm.s32 $0x14280  }
0x7: {  	s23 =	simm.s32 $0x16600;
	s24 =	simm.s32 $0x14300;
	s4 =	smul.u32 $0x48, s14  }
0x8: {  	s25 =	simm.s32 $0x16680;
	s1 =	sand.u32 $0x1, s1;
	s26 =	smul.u32 $0x14000, s14  }
0x9: {  	s5 =	sshll.u32 s14, $0x3;
	[smem:$0x7FF] =	sst s3;
	s8 =	smul.u32 $0x2800, s14  }
0xa: {  	s7 =	smul.u32 $0x50000, s14;
	s30 =	sshll.u32 s14, $0x6;
	p0 =	seq.s32 s1, $0x0  }
0xb: {  	s5 =	sor.u32 $0x480, s5;
	s6 =	smul.u32 $0x140000, s1;
	_ =	strace $0x8000004A  }
0xc: {  	s28 =	ssub.s32 $0x2, s1;
	s14 =	sor.u32 $0x1C03, s30;
	s5 =	smov.u32 @p0 s4  }
0xd: {  	s10 =	sadd.s32 s8, s0;
	s11 =	sshrl.u32 s28, $0x1;
	s29 =	sshrl.u32 s7, $0x2  }
0xe: {  	p0 =	sne.s32 s1, $0x0;
	s1 =	simm.s32 $0x16580;
	s4 =	sshll.u32 s5, $0x4  }
0xf: {  	s5 =	sadd.s32 s26, s6;
	s11 =	ssub.s32 s28, s11;
	s15 =	sadd.s32 s29, s2  }
.Ltmp0:
0x10: {  	s6 =	sadd.s32 $0x36000, s10;
	s26 =	simm.s32 $0x0;
	(pc) =	sbr.rel .LBB2_1-.Ltmp0, $4  }
0x11: {  	s9 =	sadd.s32 s4, s0;
	s4 =	sadd.s32 $0xE000, s0;
	s5 =	sshrl.u32 s5, $0x3  }
0x12: {  	s11 =	smax.u32 s11, $0x1;
	s15 =	sshrl.u32 s15, $0x3;
	s0 =	sadd.s32 s5, s0  }
0x13: {  	s5 =	sadd.s32 $0x8C00, s9;
	s7 =	sadd.s32 $0x3800, s9;
	s8 =	sadd.s32 s4, s8  }
0x14: {  	s9 =	sadd.s32 $0x3A80, s9;
	s10 =	sadd.s32 $0x5E000, s0;
	s0 =	simm.s32 $0x14200  }
.LBB2_7:
0x15: {  	[spmem:s15], [sflag:s14] =	dma.local [hbm:s6], $0x2800  }
0x16: {  	_ =	swait.ge [sflag:s13], $0x2800  }
0x17: {  	[sflag:s13] =	ssyncset.done $0x0  }
0x18: {  	[sflag:s13] =	ssyncadd.s32 $0xFFFFD800  }
0x19: {  	[bflag:$0x0] =	sbarrier.arrive $0xFFFF  }
0x1a: {  	[tilespmem:s16], [sflag:$0x3] =	stream.linear.gather [hbm4b:s7+s3], $0x400, $0x38;
	[tilespmem:$0x1F800] =	vst v63  }
0x1b: {  	_ =	swait.ge [sflag:s13], $0x400  }
0x1c: {  	[sflag:s13] =	ssyncset.done $0x0  }
0x1d: {  	[sflag:s13] =	ssyncadd.s32 $0xFFFFFC00  }
0x1e: {  	[tilespmem:s18], [sflag:$0x1] =	stream.indirect.gather [hbm4b:s4+s17], $0x80, s12, s17, $0xb8;
	[tilespmem:$0x1F800] =	vst v63  }
0x1f: {  	_ =	swait.ge [sflag:s19], $0x4000  }
0x20: {  	[sflag:s19] =	ssyncset.done $0x0  }
0x21: {  	s28 =	simm.s32 $0x14080;
	[sflag:s19] =	ssyncadd.s32 $0xFFFFC000  }
0x22: {  	[tilespmem:s20], [sflag:$0x2] =	stream.indirect.gather [hbm4b:s4+s17], $0x80, s28, s17, $0xb8;
	[tilespmem:$0x1F800] =	vst v63  }
0x23: {  	_ = 	snop  }
0x24: {  	[spmem:s2] =	stream.indirect.scatter.add.f32 [tilespmem:s18], [sflag:$0x3], $0x80, s16, s17, $0xb8;
	[tilespmem:$0x1F800] =	vst v63  }
0x25: {  	_ =	swait.ge [sflag:s13], $0x4000  }
0x26: {  	[sflag:s13] =	ssyncset.done $0x0  }
0x27: {  	[sflag:s13] =	ssyncadd.s32 $0xFFFFC000  }
0x28: {  	_ =	swait.ge [sflag:s21], $0x4000  }
0x29: {  	[sflag:s21] =	ssyncset.done $0x0  }
0x2a: {  	s28 =	simm.s32 $0x14100;
	[sflag:s21] =	ssyncadd.s32 $0xFFFFC000  }
0x2b: {  	[tilespmem:s18], [sflag:$0x1] =	stream.indirect.gather [hbm4b:s4+s17], $0x80, s28, s17, $0xb8;
	[tilespmem:$0x1F800] =	vst v63  }
0x2c: {  	s28 =	simm.s32 $0x16480  }
0x2d: {  	[spmem:s2] =	stream.indirect.scatter.add.f32 [tilespmem:s20], [sflag:$0x3], $0x80, s28, s17, $0xb8;
	[tilespmem:$0x1F800] =	vst v63  }
0x2e: {  	_ =	swait.ge [sflag:s13], $0x4000  }
0x2f: {  	[sflag:s13] =	ssyncset.done $0x0  }
0x30: {  	[sflag:s13] =	ssyncadd.s32 $0xFFFFC000  }
0x31: {  	_ =	swait.ge [sflag:s19], $0x4000  }
0x32: {  	[sflag:s19] =	ssyncset.done $0x0  }
0x33: {  	s28 =	simm.s32 $0x14180;
	[sflag:s19] =	ssyncadd.s32 $0xFFFFC000  }
0x34: {  	[tilespmem:s20], [sflag:$0x2] =	stream.indirect.gather [hbm4b:s4+s17], $0x80, s28, s17, $0xb8;
	[tilespmem:$0x1F800] =	vst v63  }
0x35: {  	_ = 	snop  }
0x36: {  	[spmem:s2] =	stream.indirect.scatter.add.f32 [tilespmem:s18], [sflag:$0x3], $0x80, s31, s17, $0xb8;
	[tilespmem:$0x1F800] =	vst v63  }
0x37: {  	_ =	swait.ge [sflag:s13], $0x4000  }
0x38: {  	[sflag:s13] =	ssyncset.done $0x0  }
0x39: {  	[sflag:s13] =	ssyncadd.s32 $0xFFFFC000  }
0x3a: {  	_ =	swait.ge [sflag:s21], $0x4000  }
0x3b: {  	[sflag:s21] =	ssyncset.done $0x0  }
0x3c: {  	[sflag:s21] =	ssyncadd.s32 $0xFFFFC000  }
0x3d: {  	[tilespmem:s18], [sflag:$0x1] =	stream.indirect.gather [hbm4b:s4+s17], $0x80, s0, s17, $0xb8;
	[tilespmem:$0x1F800] =	vst v63  }
0x3e: {  	_ = 	snop  }
0x3f: {  	[spmem:s2] =	stream.indirect.scatter.add.f32 [tilespmem:s20], [sflag:$0x3], $0x80, s1, s17, $0xb8;
	[tilespmem:$0x1F800] =	vst v63  }
0x40: {  	_ =	swait.ge [sflag:s13], $0x4000  }
0x41: {  	[sflag:s13] =	ssyncset.done $0x0  }
0x42: {  	[sflag:s13] =	ssyncadd.s32 $0xFFFFC000  }
0x43: {  	_ =	swait.ge [sflag:s19], $0x4000  }
0x44: {  	[sflag:s19] =	ssyncset.done $0x0  }
0x45: {  	[sflag:s19] =	ssyncadd.s32 $0xFFFFC000  }
0x46: {  	[tilespmem:s20], [sflag:$0x2] =	stream.indirect.gather [hbm4b:s4+s17], $0x80, s22, s17, $0xb8;
	[tilespmem:$0x1F800] =	vst v63  }
0x47: {  	_ = 	snop  }
0x48: {  	[spmem:s2] =	stream.indirect.scatter.add.f32 [tilespmem:s18], [sflag:$0x3], $0x80, s23, s17, $0xb8;
	[tilespmem:$0x1F800] =	vst v63  }
0x49: {  	_ =	swait.ge [sflag:s13], $0x4000  }
0x4a: {  	[sflag:s13] =	ssyncset.done $0x0  }
0x4b: {  	[sflag:s13] =	ssyncadd.s32 $0xFFFFC000  }
0x4c: {  	_ =	swait.ge [sflag:s21], $0x4000  }
0x4d: {  	[sflag:s21] =	ssyncset.done $0x0  }
0x4e: {  	[sflag:s21] =	ssyncadd.s32 $0xFFFFC000  }
0x4f: {  	[tilespmem:s18], [sflag:$0x1] =	stream.indirect.gather [hbm4b:s4+s17], $0x80, s24, s17, $0xb8;
	[tilespmem:$0x1F800] =	vst v63  }
0x50: {  	_ = 	snop  }
0x51: {  	[spmem:s2] =	stream.indirect.scatter.add.f32 [tilespmem:s20], [sflag:$0x3], $0x80, s25, s17, $0xb8;
	[tilespmem:$0x1F800] =	vst v63  }
0x52: {  	_ =	swait.ge [sflag:s13], $0x4000  }
0x53: {  	s29 =	simm.s32 $0x16700;
	[sflag:s13] =	ssyncset.done $0x0  }
0x54: {  	s30 =	simm.s32 $0x14380;
	s28 =	simm.s32 $0x16780;
	[sflag:s13] =	ssyncadd.s32 $0xFFFFC000  }
.LBB2_8:
0x55: {  	_ =	swait.ge [sflag:s19], $0x4000  }
0x56: {  	[sflag:s19] =	ssyncset.done $0x0  }
0x57: {  	[sflag:s19] =	ssyncadd.s32 $0xFFFFC000  }
0x58: {  	[tilespmem:s20], [sflag:$0x2] =	stream.indirect.gather [hbm4b:s4+s17], $0x80, s30, s17, $0xb8;
	[tilespmem:$0x1F800] =	vst v63  }
0x59: {  	_ = 	snop  }
0x5a: {  	[spmem:s2] =	stream.indirect.scatter.add.f32 [tilespmem:s18], [sflag:$0x3], $0x80, s29, s17, $0xb8;
	[tilespmem:$0x1F800] =	vst v63  }
0x5b: {  	_ =	swait.ge [sflag:s13], $0x4000  }
0x5c: {  	[sflag:s13] =	ssyncset.done $0x0  }
0x5d: {  	[sflag:s13] =	ssyncadd.s32 $0xFFFFC000  }
0x5e: {  	_ =	swait.ge [sflag:s21], $0x4000  }
0x5f: {  	[sflag:s21] =	ssyncset.done $0x0  }
0x60: {  	[sflag:s21] =	ssyncadd.s32 $0xFFFFC000  }
0x61: {  	[spmem:s2] =	stream.indirect.scatter.add.f32 [tilespmem:s20], [sflag:$0x3], $0x80, s28, s17, $0xb8;
	[tilespmem:$0x1F800] =	vst v63  }
0x62: {  	_ =	swait.ge [sflag:s13], $0x4000  }
0x63: {  	s26 =	sadd.s32 $0x1, s26;
	[sflag:s13] =	ssyncset.done $0x0  }
0x64: {  	p1 =	sne.s32 s26, s11;
	[sflag:s13] =	ssyncadd.s32 $0xFFFFC000  }
.Ltmp1:
0x65: {  	[bflag:$0x0] =	sbarrier.arrive $0xFFFF;
	(pc) =	sbr.rel @!p1 .LBB2_9-.Ltmp1, $4  }
0x66: {  	[hbm:s10], [sflag:s14] =	dma.local [spmem:s15], $0x2800  }
0x67: {  	_ =	swait.ge [sflag:s13], $0x2800  }
0x68: {  	[sflag:s13] =	ssyncset.done $0x0  }
0x69: {  	[sflag:s13] =	ssyncadd.s32 $0xFFFFD800  }
.LBB2_1:
.Ltmp2:
0x6a: {  	(pc) =	sbr.rel @p0 .LBB2_7-.Ltmp2, $4  }
0x6b: {  	[tilespmem:s12], [sflag:$0x3] =	stream.linear.gather [hbm4b:s5+s3], $0x2400, $0x38;
	[tilespmem:$0x1F800] =	vst v63  }
0x6c: {  	_ =	swait.ge [sflag:s13], $0x2400  }
0x6d: {  	[sflag:s13] =	ssyncset.done $0x0  }
0x6e: {  	[sflag:s13] =	ssyncadd.s32 $0xFFFFDC00  }
0x6f: {  	[spmem:s15], [sflag:s14] =	dma.local [hbm:s8], $0x2800  }
0x70: {  	_ =	swait.ge [sflag:s13], $0x2800  }
0x71: {  	[sflag:s13] =	ssyncset.done $0x0  }
0x72: {  	[sflag:s13] =	ssyncadd.s32 $0xFFFFD800  }
0x73: {  	s28 =	simm.s32 $0x0;
	[bflag:$0x0] =	sbarrier.arrive $0xFFFF  }
0x74: {  	[tilespmem:s16], [sflag:$0x3] =	stream.linear.gather [hbm4b:s7+s28], $0x1400, $0x38;
	[tilespmem:$0x1F800] =	vst v63  }
0x75: {  	_ =	swait.ge [sflag:s13], $0x1400  }
0x76: {  	[sflag:s13] =	ssyncset.done $0x0  }
0x77: {  	[sflag:s13] =	ssyncadd.s32 $0xFFFFEC00  }
0x78: {  	[tilespmem:s18], [sflag:$0x1] =	stream.indirect.gather [hbm4b:s4+s17], $0x80, s12, s17, $0xb8;
	[tilespmem:$0x1F800] =	vst v63  }
0x79: {  	_ =	swait.ge [sflag:s19], $0x4000  }
0x7a: {  	[sflag:s19] =	ssyncset.done $0x0  }
0x7b: {  	s28 =	simm.s32 $0x14080;
	[sflag:s19] =	ssyncadd.s32 $0xFFFFC000  }
0x7c: {  	[tilespmem:s20], [sflag:$0x2] =	stream.indirect.gather [hbm4b:s4+s17], $0x80, s28, s17, $0xb8;
	[tilespmem:$0x1F800] =	vst v63  }
0x7d: {  	s28 =	simm.s32 $0x16400  }
0x7e: {  	[spmem:s2] =	stream.indirect.scatter.add.f32 [tilespmem:s18], [sflag:$0x3], $0x80, s28, s17, $0xb8;
	[tilespmem:$0x1F800] =	vst v63  }
0x7f: {  	_ =	swait.ge [sflag:s13], $0x4000  }
0x80: {  	[sflag:s13] =	ssyncset.done $0x0  }
0x81: {  	[sflag:s13] =	ssyncadd.s32 $0xFFFFC000  }
0x82: {  	_ =	swait.ge [sflag:s21], $0x4000  }
0x83: {  	[sflag:s21] =	ssyncset.done $0x0  }
0x84: {  	s28 =	simm.s32 $0x14100;
	[sflag:s21] =	ssyncadd.s32 $0xFFFFC000  }
0x85: {  	[tilespmem:s18], [sflag:$0x1] =	stream.indirect.gather [hbm4b:s4+s17], $0x80, s28, s17, $0xb8;
	[tilespmem:$0x1F800] =	vst v63  }
0x86: {  	s28 =	simm.s32 $0x16480  }
0x87: {  	[spmem:s2] =	stream.indirect.scatter.add.f32 [tilespmem:s20], [sflag:$0x3], $0x80, s28, s17, $0xb8;
	[tilespmem:$0x1F800] =	vst v63  }
0x88: {  	_ =	swait.ge [sflag:s13], $0x4000  }
0x89: {  	s28 =	simm.s32 $0x400;
	[sflag:s13] =	ssyncset.done $0x0  }
.LBB2_3:
0x8a: {  	p1 =	sne.s32 s28, $0x4800  }
0x8b: {  	[sflag:s13] =	ssyncadd.s32 $0xFFFFC000;
	s29 =	smov.u32 s28;
	s28 =	sadd.s32 $0x400, s28  }
0x8c: {  	_ = 	snop  }
0x8d: {  	_ =	swait.ge [sflag:s19], $0x4000  }
0x8e: {  	s29 =	sshra.s32 s29, $0x2;
	[sflag:s19] =	ssyncset.done $0x0  }
0x8f: {  	s30 =	sadd.s32 $0x14080, s29;
	[sflag:s19] =	ssyncadd.s32 $0xFFFFC000  }
0x90: {  	[tilespmem:s20], [sflag:$0x2] =	stream.indirect.gather [hbm4b:s4+s17], $0x80, s30, s17, $0xb8;
	[tilespmem:$0x1F800] =	vst v63  }
0x91: {  	s30 =	sadd.s32 $0x16400, s29  }
0x92: {  	[spmem:s2] =	stream.indirect.scatter.add.f32 [tilespmem:s18], [sflag:$0x3], $0x80, s30, s17, $0xb8;
	[tilespmem:$0x1F800] =	vst v63  }
0x93: {  	_ =	swait.ge [sflag:s13], $0x4000  }
0x94: {  	[sflag:s13] =	ssyncset.done $0x0  }
0x95: {  	[sflag:s13] =	ssyncadd.s32 $0xFFFFC000  }
0x96: {  	_ =	swait.ge [sflag:s21], $0x4000  }
0x97: {  	[sflag:s21] =	ssyncset.done $0x0  }
0x98: {  	s30 =	sadd.s32 $0x14100, s29;
	[sflag:s21] =	ssyncadd.s32 $0xFFFFC000  }
0x99: {  	[tilespmem:s18], [sflag:$0x1] =	stream.indirect.gather [hbm4b:s4+s17], $0x80, s30, s17, $0xb8;
	[tilespmem:$0x1F800] =	vst v63  }
.Ltmp3:
0x9a: {  	_ = 	snop;
	(pc) =	sbr.rel @p1 .LBB2_3-.Ltmp3, $4  }
0x9b: {  	s29 =	sadd.s32 $0x16480, s29  }
0x9c: {  	[spmem:s2] =	stream.indirect.scatter.add.f32 [tilespmem:s20], [sflag:$0x3], $0x80, s29, s17, $0xb8;
	[tilespmem:$0x1F800] =	vst v63  }
0x9d: {  	_ =	swait.ge [sflag:s13], $0x4000  }
0x9e: {  	[sflag:s13] =	ssyncset.done $0x0  }
0x9f: {  	[sflag:s13] =	ssyncadd.s32 $0xFFFFC000  }
0xa0: {  	_ =	swait.ge [sflag:s19], $0x4000  }
0xa1: {  	[sflag:s19] =	ssyncset.done $0x0  }
0xa2: {  	s28 =	simm.s32 $0x15380;
	[sflag:s19] =	ssyncadd.s32 $0xFFFFC000  }
0xa3: {  	[tilespmem:s20], [sflag:$0x2] =	stream.indirect.gather [hbm4b:s4+s17], $0x80, s28, s17, $0xb8;
	[tilespmem:$0x1F800] =	vst v63  }
0xa4: {  	s28 =	simm.s32 $0x17700  }
0xa5: {  	[spmem:s2] =	stream.indirect.scatter.add.f32 [tilespmem:s18], [sflag:$0x3], $0x80, s28, s17, $0xb8;
	[tilespmem:$0x1F800] =	vst v63  }
0xa6: {  	_ =	swait.ge [sflag:s13], $0x4000  }
0xa7: {  	[sflag:s13] =	ssyncset.done $0x0  }
0xa8: {  	[sflag:s13] =	ssyncadd.s32 $0xFFFFC000  }
0xa9: {  	_ =	swait.ge [sflag:s21], $0x4000  }
0xaa: {  	[sflag:s21] =	ssyncset.done $0x0  }
0xab: {  	s28 =	simm.s32 $0x17780;
	[sflag:s21] =	ssyncadd.s32 $0xFFFFC000  }
0xac: {  	[spmem:s2] =	stream.indirect.scatter.add.f32 [tilespmem:s20], [sflag:$0x3], $0x80, s28, s17, $0xb8;
	[tilespmem:$0x1F800] =	vst v63  }
0xad: {  	_ =	swait.ge [sflag:s13], $0x4000  }
0xae: {  	[sflag:s13] =	ssyncset.done $0x0  }
0xaf: {  	s28 =	simm.s32 $0x0;
	[sflag:s13] =	ssyncadd.s32 $0xFFFFC000  }
0xb0: {  	[tilespmem:s16], [sflag:$0x3] =	stream.linear.gather [hbm4b:s9+s28], $0x1000, $0x38;
	[tilespmem:$0x1F800] =	vst v63  }
0xb1: {  	_ =	swait.ge [sflag:s13], $0x1000  }
0xb2: {  	[sflag:s13] =	ssyncset.done $0x0  }
0xb3: {  	s29 =	simm.s32 $0x15400;
	[sflag:s13] =	ssyncadd.s32 $0xFFFFF000  }
0xb4: {  	[tilespmem:s18], [sflag:$0x1] =	stream.indirect.gather [hbm4b:s4+s17], $0x80, s29, s17, $0xb8;
	[tilespmem:$0x1F800] =	vst v63  }
.LBB2_5:
0xb5: {  	_ =	swait.ge [sflag:s19], $0x4000  }
0xb6: {  	s29 =	sshra.s32 s28, $0x2;
	[sflag:s19] =	ssyncset.done $0x0  }
0xb7: {  	s30 =	sadd.s32 $0x15480, s29;
	[sflag:s19] =	ssyncadd.s32 $0xFFFFC000  }
0xb8: {  	[tilespmem:s20], [sflag:$0x2] =	stream.indirect.gather [hbm4b:s4+s17], $0x80, s30, s17, $0xb8;
	[tilespmem:$0x1F800] =	vst v63  }
0xb9: {  	s30 =	sadd.s32 $0x16400, s29  }
0xba: {  	[spmem:s2] =	stream.indirect.scatter.add.f32 [tilespmem:s18], [sflag:$0x3], $0x80, s30, s17, $0xb8;
	[tilespmem:$0x1F800] =	vst v63  }
0xbb: {  	_ =	swait.ge [sflag:s13], $0x4000  }
0xbc: {  	[sflag:s13] =	ssyncset.done $0x0  }
0xbd: {  	[sflag:s13] =	ssyncadd.s32 $0xFFFFC000  }
0xbe: {  	_ =	swait.ge [sflag:s21], $0x4000  }
0xbf: {  	[sflag:s21] =	ssyncset.done $0x0  }
0xc0: {  	p1 =	seq.s32 s28, $0x3800;
	s30 =	sadd.s32 $0x15500, s29;
	[sflag:s21] =	ssyncadd.s32 $0xFFFFC000  }
0xc1: {  	[tilespmem:s18], [sflag:$0x1] =	stream.indirect.gather [hbm4b:s4+s17], $0x80, s30, s17, $0xb8;
	[tilespmem:$0x1F800] =	vst v63  }
.Ltmp4:
0xc2: {  	s29 =	sadd.s32 $0x16480, s29;
	(pc) =	sbr.rel @!p1 .LBB2_5-.Ltmp4, $4  }
0xc3: {  	[spmem:s2] =	stream.indirect.scatter.add.f32 [tilespmem:s20], [sflag:$0x3], $0x80, s29, s17, $0xb8;
	[tilespmem:$0x1F800] =	vst v63  }
0xc4: {  	_ =	swait.ge [sflag:s13], $0x4000  }
0xc5: {  	[sflag:s13] =	ssyncset.done $0x0  }
0xc6: {  	s28 =	sadd.s32 $0x400, s28;
	[sflag:s13] =	ssyncadd.s32 $0xFFFFC000  }
.Ltmp5:
0xc7: {  	(pc) =	sbr.rel .LBB2_8-.Ltmp5, $2  }
0xc8: {  	_ =	sdelay $0x2  }
0xc9: {  	s28 =	simm.s32 $0x17380;
	s29 =	simm.s32 $0x17300;
	s30 =	simm.s32 $0x16380  }
.LBB2_9:
0xca: {  	_ =	sfence.sel $0x180000  }
0xcb: {  	[bflag:$0x0] =	sbarrier.arrive $0xFFFF  }
0xcc: {  	_ =	strace $0x9000004A  }
0xcd: {  	s0 =	stileid.u32;
	[bflag:$0x2] =	sbarrier.arrive $0xFFFF  }
0xce: {  	p0 =	sne.s32 s0, $0x0;
	s0 =	rddreg [dreg:$0x2]  }
0xcf: {  	s0 =	sadd.s32 @!p0 $0x100000, s0  }
0xd0: {  	[sflag:s0] =	ssyncadd.tile.s32 @!p0 $0x1;
	_ =	shalt  }
.Lfunc_end2:
_tile_overlayer_lowered:
.L_overlay_start_2:
0xd1: {  	(tag) =	ssettag $0x2  }
0xd2: {  	s0 =	rddreg [dreg:$0x0];
	s2 =	stileid.u32  }
0xd3: {  	s1 =	rddreg [dreg:$0x1];
	p0 =	sne.s32 s2, $0x0  }
0xd4: {  	s3 =	rddreg [dreg:$0x2];
	[bflag:$0x3] =	sbarrier.arrive $0xFFFF;
	s2 =	simm.s32 @!p0 $0x1C03  }
0xd5: {  	[timem:s3], [sflag:s2] =	dma.local @!p0 [hbm:s0], s1  }
0xd6: {  	s0 =	simm.s32 @!p0 $0x3  }
0xd7: {  	_ =	swait.ge @!p0 [sflag:s0], s1  }
0xd8: {  	s1 =	ssub.s32 @!p0 $0x0, s1;
	[sflag:s0] =	ssyncset.done @!p0 $0x0  }
0xd9: {  	[sflag:s0] =	ssyncadd.s32 @!p0 s1  }
0xda: {  	[bflag:$0x3] =	sbarrier.arrive $0xFFFF  }
0xdb: {  	_ =	shalt  }

</sc_bundles>
